<compile_context>
chip_gen: v7x
topology: tpu7x:2x2x1
jax: 0.10.2.dev20260603
libtpu: 0.0.44.dev20260713+nightly
codegen_flags: <defaults>
</compile_context>

<pallas_src>
import jax
import jax.numpy as jnp
from jax import lax
from jax.experimental import pallas as pl
from jax.experimental.pallas import tpu as pltpu
from jax.experimental.pallas import tpu_sc as plsc

B, S, D, E, TOP_K = 4, 4096, 2048, 16, 2
N_TOK = B * S
T = 1024

NC, NS, L = 2, 16, 16
NW = NC * NS
TOK_PER_W = N_TOK // NW
GROUPS = TOK_PER_W // L
CHUNKS_PER_B = S // TOK_PER_W


def _scores_body(x_ref, w_ref, b_ref, out_ref):
    logits = lax.dot_general(
        w_ref[...], x_ref[...],
        dimension_numbers=(((1,), (1,)), ((), ())),
        preferred_element_type=jnp.float32,
    )
    logits = logits + b_ref[...]
    m = jnp.max(logits, axis=0, keepdims=True)
    e = jnp.exp(logits - m)
    out_ref[...] = (e / jnp.sum(e, axis=0, keepdims=True))[None]


def _dispatch_body(scores_hbm, out_hbm, buf_in, buf_out):
    wid = lax.axis_index("s") * NC + lax.axis_index("c")
    b = wid // CHUNKS_PER_B
    chunk = (wid % CHUNKS_PER_B) * TOK_PER_W
    pltpu.sync_copy(scores_hbm.at[b, :, pl.ds(chunk, TOK_PER_W)], buf_in)

    def group(g, carry):
        gbase = g * L
        vals = [buf_in[e, pl.ds(gbase, L)] for e in range(E)]
        m1 = vals[0]
        i1 = jnp.zeros((L,), jnp.int32)
        m2 = jnp.full((L,), -jnp.inf, jnp.float32)
        i2 = jnp.zeros((L,), jnp.int32)
        for e in range(1, E):
            v = vals[e]
            ev = jnp.full((L,), e, jnp.int32)
            gt1 = v > m1
            gt2 = v > m2
            m2 = jnp.where(gt1, m1, jnp.where(gt2, v, m2))
            i2 = jnp.where(gt1, i1, jnp.where(gt2, ev, i2))
            m1 = jnp.where(gt1, v, m1)
            i1 = jnp.where(gt1, ev, i1)
        for e in range(E):
            ev = jnp.full((L,), e, jnp.int32)
            keep = (i1 == ev) | (i2 == ev)
            buf_out[e, pl.ds(gbase, L)] = jnp.where(keep, vals[e], 0.0)
        return carry

    lax.fori_loop(0, GROUPS, group, 0)
    pltpu.sync_copy(buf_out, out_hbm.at[b, :, pl.ds(chunk, TOK_PER_W)])


@jax.jit
def kernel(x, W, b):
    xf = x.reshape(N_TOK, D)
    b2 = b.reshape(E, 1)
    scores_t = pl.pallas_call(
        _scores_body,
        grid=(N_TOK // T,),
        in_specs=[
            pl.BlockSpec((T, D), lambda i: (i, 0)),
            pl.BlockSpec((E, D), lambda i: (0, 0)),
            pl.BlockSpec((E, 1), lambda i: (0, 0)),
        ],
        out_specs=pl.BlockSpec((1, E, T), lambda i: (i // (S // T), 0, i % (S // T))),
        out_shape=jax.ShapeDtypeStruct((B, E, S), jnp.float32),
    )(xf, W, b2)

    mesh = plsc.VectorSubcoreMesh(
        core_axis_name="c", subcore_axis_name="s", num_cores=NC
    )
    dispatch_t = pl.kernel(
        _dispatch_body,
        out_type=jax.ShapeDtypeStruct((B, E, S), jnp.float32),
        mesh=mesh,
        compiler_params=pltpu.CompilerParams(needs_layout_passes=False),
        scratch_types=[
            pltpu.VMEM((E, TOK_PER_W), jnp.float32),
            pltpu.VMEM((E, TOK_PER_W), jnp.float32),
        ],
    )(scores_t)
    return dispatch_t.transpose(0, 2, 1)

# --- scband reference (transcript-rebuilt; emitter-appended) ---
"""Pipeline reference for scband-top-krouter-22265110463277 (READ-ONLY COPY).

The authoritative reference and input builder live on the scoring server;
editing this copy changes nothing except your own understanding.
"""

import jax, jax.numpy as jnp
import numpy as np

B, S, D, E, TOP_K = 4, 4096, 2048, 16, 2

def setup_inputs(seed: int = 0) -> dict:
    key = jax.random.key(seed)
    k1, k2, k3 = jax.random.split(key, 3)
    x = jax.random.normal(k1, (B, S, D), dtype=jnp.float32)
    # nn.Linear(d_model, num_experts): W [E, D], b [E]
    bound = 1.0 / np.sqrt(D)
    W = jax.random.uniform(k2, (E, D), dtype=jnp.float32, minval=-bound, maxval=bound)
    b = jax.random.uniform(k3, (E,), dtype=jnp.float32, minval=-bound, maxval=bound)
    return {"x": x, "W": W, "b": b}

def reference(x, W, b):
    # gate linear
    logits = jnp.einsum('bsd,ed->bse', x, W) + b
    # noise_std = 0.0 / eval mode: no noise
    scores = jax.nn.softmax(logits, axis=-1)
    topk_scores, topk_indices = jax.lax.top_k(scores, TOP_K)
    bi = jnp.arange(x.shape[0])[:, None, None]
    si = jnp.arange(x.shape[1])[None, :, None]
    dispatch_mask = jnp.zeros_like(scores)
    dispatch_mask = dispatch_mask.at[bi, si, topk_indices].set(topk_scores)
    return dispatch_mask

if __name__ == "__main__":
    import jax
    _d = setup_inputs()
    print(jax.jit(kernel)(*tuple(_d.values())))

</pallas_src>

<mosaic_0001>
#map = affine_map<(d0, d1) -> (0, 0, 0)>
module attributes {stable_mosaic.version = 14 : i64} {
  func.func @_dispatch_body(%arg0: i32, %arg1: i32, %arg2: memref<4x16x4096xf32, #tpu.memory_space<hbm>>, %arg3: memref<4x16x4096xf32, #tpu.memory_space<hbm>>, %arg4: memref<16x512xf32, #tpu.memory_space<vmem>>, %arg5: memref<16x512xf32, #tpu.memory_space<vmem>>) attributes {dimension_semantics = [#tpu.dimension_semantics<core_parallel>, #tpu.dimension_semantics<subcore_parallel>], iteration_bounds = array<i64: 2, 16>, scalar_prefetch = 0 : i64, scratch_operands = 2 : i64, tpu.core_type = #tpu.core_type<sc_vector_subcore>, window_params = [{transform_indices = #map}, {transform_indices = #map}]} {
    %mul3A = arith.constant 2 : i32
    %mul3A_0 = arith.muli %arg1, %mul3A : i32
    %add3A = arith.addi %mul3A_0, %arg0 : i32
    %jit3A = arith.constant 8 : i32
    %div3A = arith.divsi %add3A, %jit3A : i32
    %sign3A = arith.constant 0 : i32
    %sign3A_1 = arith.cmpi sgt, %add3A, %sign3A : i32
    %sign3A_2 = arith.extui %sign3A_1 : i1 to i32
    %sign3A_3 = arith.constant 0 : i32
    %sign3A_4 = arith.cmpi slt, %add3A, %sign3A_3 : i32
    %sign3A_5 = arith.extui %sign3A_4 : i1 to i32
    %sign3A_6 = arith.subi %sign3A_2, %sign3A_5 : i32
    %sign3A_7 = arith.constant 0 : i32
    %sign3A_8 = arith.cmpi sgt, %jit3A, %sign3A_7 : i32
    %sign3A_9 = arith.extui %sign3A_8 : i1 to i32
    %sign3A_10 = arith.constant 0 : i32
    %sign3A_11 = arith.cmpi slt, %jit3A, %sign3A_10 : i32
    %sign3A_12 = arith.extui %sign3A_11 : i1 to i32
    %sign3A_13 = arith.subi %sign3A_9, %sign3A_12 : i32
    %ne3A = arith.cmpi ne, %sign3A_6, %sign3A_13 : i32
    %rem3A = arith.remsi %add3A, %jit3A : i32
    %ne3A_14 = arith.constant 0 : i32
    %ne3A_15 = arith.cmpi ne, %rem3A, %ne3A_14 : i32
    %and3A = arith.andi %ne3A, %ne3A_15 : i1
    %sub3A = arith.constant 1 : i32
    %sub3A_16 = arith.subi %div3A, %sub3A : i32
    %select_n3A = arith.select %and3A, %sub3A_16, %div3A : i32
    %jit3A_17 = arith.constant 8 : i32
    %eq3A = arith.constant 0 : i32
    %eq3A_18 = arith.cmpi eq, %jit3A_17, %eq3A : i32
    %jit3A_19 = arith.constant 1 : i32
    %select_n3A_20 = arith.select %eq3A_18, %jit3A_19, %jit3A_17 : i32
    %rem3A_21 = arith.remsi %add3A, %select_n3A_20 : i32
    %ne3A_22 = arith.constant 0 : i32
    %ne3A_23 = arith.cmpi ne, %rem3A_21, %ne3A_22 : i32
    %lt3A = arith.constant 0 : i32
    %lt3A_24 = arith.cmpi slt, %rem3A_21, %lt3A : i32
    %lt3A_25 = arith.constant 0 : i32
    %lt3A_26 = arith.cmpi slt, %select_n3A_20, %lt3A_25 : i32
    %ne3A_27 = arith.xori %lt3A_24, %lt3A_26 : i1
    %and3A_28 = arith.andi %ne3A_27, %ne3A_23 : i1
    %add3A_29 = arith.addi %rem3A_21, %select_n3A_20 : i32
    %select_n3A_30 = arith.select %and3A_28, %add3A_29, %rem3A_21 : i32
    %mul3A_31 = arith.constant 512 : i32
    %mul3A_32 = arith.muli %select_n3A_30, %mul3A_31 : i32
    "tpu.region"() ({
      %run_scoped3A = tpu.sem_alloc : memref<!tpu.dma_semaphore, #tpu.memory_space<semaphore_mem>>
      %dma_start3A = arith.constant 0 : i32
      %dma_start3A_38 = tpu.memref_slice %arg2[%select_n3A, %dma_start3A, %mul3A_32] : memref<4x16x4096xf32, #tpu.memory_space<hbm>> -> memref<1x16x512xf32, #tpu.memory_space<hbm>>
      %dma_start3A_39 = tpu.memref_squeeze %dma_start3A_38 : memref<1x16x512xf32, #tpu.memory_space<hbm>> -> memref<16x512xf32, #tpu.memory_space<hbm>>
      %dma_start3A_40 = arith.constant 0 : i32
      %dma_start3A_41 = tpu.memref_slice %arg2[%select_n3A, %dma_start3A_40, %mul3A_32] : memref<4x16x4096xf32, #tpu.memory_space<hbm>> -> memref<1x16x512xf32, #tpu.memory_space<hbm>>
      %dma_start3A_42 = tpu.memref_squeeze %dma_start3A_41 : memref<1x16x512xf32, #tpu.memory_space<hbm>> -> memref<16x512xf32, #tpu.memory_space<hbm>>
      tpu.enqueue_dma source(%dma_start3A_42 : memref<16x512xf32, #tpu.memory_space<hbm>>) target(%arg4 : memref<16x512xf32, #tpu.memory_space<vmem>>) target_semaphore(%run_scoped3A : memref<!tpu.dma_semaphore, #tpu.memory_space<semaphore_mem>>)
      %dma_wait3A = arith.constant 0 : i32
      %dma_wait3A_43 = tpu.memref_slice %arg2[%select_n3A, %dma_wait3A, %mul3A_32] : memref<4x16x4096xf32, #tpu.memory_space<hbm>> -> memref<1x16x512xf32, #tpu.memory_space<hbm>>
      %dma_wait3A_44 = tpu.memref_squeeze %dma_wait3A_43 : memref<1x16x512xf32, #tpu.memory_space<hbm>> -> memref<16x512xf32, #tpu.memory_space<hbm>>
      %dma_wait3A_45 = arith.constant 0 : i32
      %dma_wait3A_46 = tpu.memref_slice %arg2[%select_n3A, %dma_wait3A_45, %mul3A_32] : memref<4x16x4096xf32, #tpu.memory_space<hbm>> -> memref<1x16x512xf32, #tpu.memory_space<hbm>>
      %dma_wait3A_47 = tpu.memref_squeeze %dma_wait3A_46 : memref<1x16x512xf32, #tpu.memory_space<hbm>> -> memref<16x512xf32, #tpu.memory_space<hbm>>
      tpu.wait_dma2 semaphore(%run_scoped3A : memref<!tpu.dma_semaphore, #tpu.memory_space<semaphore_mem>>) src(%dma_wait3A_47 : memref<16x512xf32, #tpu.memory_space<hbm>>) dst(%arg4 : memref<16x512xf32, #tpu.memory_space<vmem>>)
      tpu.yield
    }) : () -> ()
    %scan3A = arith.constant 0 : i32
    %scan3A_33 = arith.constant 0 : i32
    %scan3A_34 = arith.constant 32 : i32
    %scan3A_35 = arith.addi %scan3A_33, %scan3A_34 : i32
    %scan3A_36 = arith.constant 1 : i32
    scf.for %scan3A_38 = %scan3A_33 to %scan3A_35 step %scan3A_36  : i32 {
      %mul3A_39 = arith.constant 16 : i32
      %mul3A_40 = arith.muli %scan3A_38, %mul3A_39 : i32
      %get3A = arith.constant 0 : i32
      %get3A_41 = arith.index_cast %get3A : i32 to index
      %get3A_42 = arith.index_cast %mul3A_40 : i32 to index
      %get3A_43 = tpu.vector_load %arg4[%get3A_41, %get3A_42] {strides = array<i32>} : memref<16x512xf32, #tpu.memory_space<vmem>>, vector<16xf32>,
      %get3A_44 = arith.constant 1 : i32
      %get3A_45 = arith.index_cast %get3A_44 : i32 to index
      %get3A_46 = arith.index_cast %mul3A_40 : i32 to index
      %get3A_47 = tpu.vector_load %arg4[%get3A_45, %get3A_46] {strides = array<i32>} : memref<16x512xf32, #tpu.memory_space<vmem>>, vector<16xf32>,
      %get3A_48 = arith.constant 2 : i32
      %get3A_49 = arith.index_cast %get3A_48 : i32 to index
      %get3A_50 = arith.index_cast %mul3A_40 : i32 to index
      %get3A_51 = tpu.vector_load %arg4[%get3A_49, %get3A_50] {strides = array<i32>} : memref<16x512xf32, #tpu.memory_space<vmem>>, vector<16xf32>,
      %get3A_52 = arith.constant 3 : i32
      %get3A_53 = arith.index_cast %get3A_52 : i32 to index
      %get3A_54 = arith.index_cast %mul3A_40 : i32 to index
      %get3A_55 = tpu.vector_load %arg4[%get3A_53, %get3A_54] {strides = array<i32>} : memref<16x512xf32, #tpu.memory_space<vmem>>, vector<16xf32>,
      %get3A_56 = arith.constant 4 : i32
      %get3A_57 = arith.index_cast %get3A_56 : i32 to index
      %get3A_58 = arith.index_cast %mul3A_40 : i32 to index
      %get3A_59 = tpu.vector_load %arg4[%get3A_57, %get3A_58] {strides = array<i32>} : memref<16x512xf32, #tpu.memory_space<vmem>>, vector<16xf32>,
      %get3A_60 = arith.constant 5 : i32
      %get3A_61 = arith.index_cast %get3A_60 : i32 to index
      %get3A_62 = arith.index_cast %mul3A_40 : i32 to index
      %get3A_63 = tpu.vector_load %arg4[%get3A_61, %get3A_62] {strides = array<i32>} : memref<16x512xf32, #tpu.memory_space<vmem>>, vector<16xf32>,
      %get3A_64 = arith.constant 6 : i32
      %get3A_65 = arith.index_cast %get3A_64 : i32 to index
      %get3A_66 = arith.index_cast %mul3A_40 : i32 to index
      %get3A_67 = tpu.vector_load %arg4[%get3A_65, %get3A_66] {strides = array<i32>} : memref<16x512xf32, #tpu.memory_space<vmem>>, vector<16xf32>,
      %get3A_68 = arith.constant 7 : i32
      %get3A_69 = arith.index_cast %get3A_68 : i32 to index
      %get3A_70 = arith.index_cast %mul3A_40 : i32 to index
      %get3A_71 = tpu.vector_load %arg4[%get3A_69, %get3A_70] {strides = array<i32>} : memref<16x512xf32, #tpu.memory_space<vmem>>, vector<16xf32>,
      %get3A_72 = arith.constant 8 : i32
      %get3A_73 = arith.index_cast %get3A_72 : i32 to index
      %get3A_74 = arith.index_cast %mul3A_40 : i32 to index
      %get3A_75 = tpu.vector_load %arg4[%get3A_73, %get3A_74] {strides = array<i32>} : memref<16x512xf32, #tpu.memory_space<vmem>>, vector<16xf32>,
      %get3A_76 = arith.constant 9 : i32
      %get3A_77 = arith.index_cast %get3A_76 : i32 to index
      %get3A_78 = arith.index_cast %mul3A_40 : i32 to index
      %get3A_79 = tpu.vector_load %arg4[%get3A_77, %get3A_78] {strides = array<i32>} : memref<16x512xf32, #tpu.memory_space<vmem>>, vector<16xf32>,
      %get3A_80 = arith.constant 10 : i32
      %get3A_81 = arith.index_cast %get3A_80 : i32 to index
      %get3A_82 = arith.index_cast %mul3A_40 : i32 to index
      %get3A_83 = tpu.vector_load %arg4[%get3A_81, %get3A_82] {strides = array<i32>} : memref<16x512xf32, #tpu.memory_space<vmem>>, vector<16xf32>,
      %get3A_84 = arith.constant 11 : i32
      %get3A_85 = arith.index_cast %get3A_84 : i32 to index
      %get3A_86 = arith.index_cast %mul3A_40 : i32 to index
      %get3A_87 = tpu.vector_load %arg4[%get3A_85, %get3A_86] {strides = array<i32>} : memref<16x512xf32, #tpu.memory_space<vmem>>, vector<16xf32>,
      %get3A_88 = arith.constant 12 : i32
      %get3A_89 = arith.index_cast %get3A_88 : i32 to index
      %get3A_90 = arith.index_cast %mul3A_40 : i32 to index
      %get3A_91 = tpu.vector_load %arg4[%get3A_89, %get3A_90] {strides = array<i32>} : memref<16x512xf32, #tpu.memory_space<vmem>>, vector<16xf32>,
      %get3A_92 = arith.constant 13 : i32
      %get3A_93 = arith.index_cast %get3A_92 : i32 to index
      %get3A_94 = arith.index_cast %mul3A_40 : i32 to index
      %get3A_95 = tpu.vector_load %arg4[%get3A_93, %get3A_94] {strides = array<i32>} : memref<16x512xf32, #tpu.memory_space<vmem>>, vector<16xf32>,
      %get3A_96 = arith.constant 14 : i32
      %get3A_97 = arith.index_cast %get3A_96 : i32 to index
      %get3A_98 = arith.index_cast %mul3A_40 : i32 to index
      %get3A_99 = tpu.vector_load %arg4[%get3A_97, %get3A_98] {strides = array<i32>} : memref<16x512xf32, #tpu.memory_space<vmem>>, vector<16xf32>,
      %get3A_100 = arith.constant 15 : i32
      %get3A_101 = arith.index_cast %get3A_100 : i32 to index
      %get3A_102 = arith.index_cast %mul3A_40 : i32 to index
      %get3A_103 = tpu.vector_load %arg4[%get3A_101, %get3A_102] {strides = array<i32>} : memref<16x512xf32, #tpu.memory_space<vmem>>, vector<16xf32>,
      %broadcast_in_dim3A = arith.constant 0 : i32
      %broadcast_in_dim3A_104 = vector.broadcast %broadcast_in_dim3A : i32 to vector<16xi32>
      %broadcast_in_dim3A_105 = arith.constant 0xFF800000 : f32
      %broadcast_in_dim3A_106 = vector.broadcast %broadcast_in_dim3A_105 : f32 to vector<16xf32>
      %broadcast_in_dim3A_107 = arith.constant 0 : i32
      %broadcast_in_dim3A_108 = vector.broadcast %broadcast_in_dim3A_107 : i32 to vector<16xi32>
      %broadcast_in_dim3A_109 = arith.constant 1 : i32
      %broadcast_in_dim3A_110 = vector.broadcast %broadcast_in_dim3A_109 : i32 to vector<16xi32>
      %gt3A = arith.cmpf ogt, %get3A_47, %get3A_43 : vector<16xf32>
      %gt3A_111 = arith.cmpf ogt, %get3A_47, %broadcast_in_dim3A_106 : vector<16xf32>
      %select_n3A_112 = arith.select %gt3A_111, %get3A_47, %broadcast_in_dim3A_106 : vector<16xi1>, vector<16xf32>
      %select_n3A_113 = arith.select %gt3A, %get3A_43, %select_n3A_112 : vector<16xi1>, vector<16xf32>
      %select_n3A_114 = arith.select %gt3A_111, %broadcast_in_dim3A_110, %broadcast_in_dim3A_108 : vector<16xi1>, vector<16xi32>
      %select_n3A_115 = arith.select %gt3A, %broadcast_in_dim3A_104, %select_n3A_114 : vector<16xi1>, vector<16xi32>
      %select_n3A_116 = arith.select %gt3A, %get3A_47, %get3A_43 : vector<16xi1>, vector<16xf32>
      %select_n3A_117 = arith.select %gt3A, %broadcast_in_dim3A_110, %broadcast_in_dim3A_104 : vector<16xi1>, vector<16xi32>
      %broadcast_in_dim3A_118 = arith.constant 2 : i32
      %broadcast_in_dim3A_119 = vector.broadcast %broadcast_in_dim3A_118 : i32 to vector<16xi32>
      %gt3A_120 = arith.cmpf ogt, %get3A_51, %select_n3A_116 : vector<16xf32>
      %gt3A_121 = arith.cmpf ogt, %get3A_51, %select_n3A_113 : vector<16xf32>
      %select_n3A_122 = arith.select %gt3A_121, %get3A_51, %select_n3A_113 : vector<16xi1>, vector<16xf32>
      %select_n3A_123 = arith.select %gt3A_120, %select_n3A_116, %select_n3A_122 : vector<16xi1>, vector<16xf32>
      %select_n3A_124 = arith.select %gt3A_121, %broadcast_in_dim3A_119, %select_n3A_115 : vector<16xi1>, vector<16xi32>
      %select_n3A_125 = arith.select %gt3A_120, %select_n3A_117, %select_n3A_124 : vector<16xi1>, vector<16xi32>
      %select_n3A_126 = arith.select %gt3A_120, %get3A_51, %select_n3A_116 : vector<16xi1>, vector<16xf32>
      %select_n3A_127 = arith.select %gt3A_120, %broadcast_in_dim3A_119, %select_n3A_117 : vector<16xi1>, vector<16xi32>
      %broadcast_in_dim3A_128 = arith.constant 3 : i32
      %broadcast_in_dim3A_129 = vector.broadcast %broadcast_in_dim3A_128 : i32 to vector<16xi32>
      %gt3A_130 = arith.cmpf ogt, %get3A_55, %select_n3A_126 : vector<16xf32>
      %gt3A_131 = arith.cmpf ogt, %get3A_55, %select_n3A_123 : vector<16xf32>
      %select_n3A_132 = arith.select %gt3A_131, %get3A_55, %select_n3A_123 : vector<16xi1>, vector<16xf32>
      %select_n3A_133 = arith.select %gt3A_130, %select_n3A_126, %select_n3A_132 : vector<16xi1>, vector<16xf32>
      %select_n3A_134 = arith.select %gt3A_131, %broadcast_in_dim3A_129, %select_n3A_125 : vector<16xi1>, vector<16xi32>
      %select_n3A_135 = arith.select %gt3A_130, %select_n3A_127, %select_n3A_134 : vector<16xi1>, vector<16xi32>
      %select_n3A_136 = arith.select %gt3A_130, %get3A_55, %select_n3A_126 : vector<16xi1>, vector<16xf32>
      %select_n3A_137 = arith.select %gt3A_130, %broadcast_in_dim3A_129, %select_n3A_127 : vector<16xi1>, vector<16xi32>
      %broadcast_in_dim3A_138 = arith.constant 4 : i32
      %broadcast_in_dim3A_139 = vector.broadcast %broadcast_in_dim3A_138 : i32 to vector<16xi32>
      %gt3A_140 = arith.cmpf ogt, %get3A_59, %select_n3A_136 : vector<16xf32>
      %gt3A_141 = arith.cmpf ogt, %get3A_59, %select_n3A_133 : vector<16xf32>
      %select_n3A_142 = arith.select %gt3A_141, %get3A_59, %select_n3A_133 : vector<16xi1>, vector<16xf32>
      %select_n3A_143 = arith.select %gt3A_140, %select_n3A_136, %select_n3A_142 : vector<16xi1>, vector<16xf32>
      %select_n3A_144 = arith.select %gt3A_141, %broadcast_in_dim3A_139, %select_n3A_135 : vector<16xi1>, vector<16xi32>
      %select_n3A_145 = arith.select %gt3A_140, %select_n3A_137, %select_n3A_144 : vector<16xi1>, vector<16xi32>
      %select_n3A_146 = arith.select %gt3A_140, %get3A_59, %select_n3A_136 : vector<16xi1>, vector<16xf32>
      %select_n3A_147 = arith.select %gt3A_140, %broadcast_in_dim3A_139, %select_n3A_137 : vector<16xi1>, vector<16xi32>
      %broadcast_in_dim3A_148 = arith.constant 5 : i32
      %broadcast_in_dim3A_149 = vector.broadcast %broadcast_in_dim3A_148 : i32 to vector<16xi32>
      %gt3A_150 = arith.cmpf ogt, %get3A_63, %select_n3A_146 : vector<16xf32>
      %gt3A_151 = arith.cmpf ogt, %get3A_63, %select_n3A_143 : vector<16xf32>
      %select_n3A_152 = arith.select %gt3A_151, %get3A_63, %select_n3A_143 : vector<16xi1>, vector<16xf32>
      %select_n3A_153 = arith.select %gt3A_150, %select_n3A_146, %select_n3A_152 : vector<16xi1>, vector<16xf32>
      %select_n3A_154 = arith.select %gt3A_151, %broadcast_in_dim3A_149, %select_n3A_145 : vector<16xi1>, vector<16xi32>
      %select_n3A_155 = arith.select %gt3A_150, %select_n3A_147, %select_n3A_154 : vector<16xi1>, vector<16xi32>
      %select_n3A_156 = arith.select %gt3A_150, %get3A_63, %select_n3A_146 : vector<16xi1>, vector<16xf32>
      %select_n3A_157 = arith.select %gt3A_150, %broadcast_in_dim3A_149, %select_n3A_147 : vector<16xi1>, vector<16xi32>
      %broadcast_in_dim3A_158 = arith.constant 6 : i32
      %broadcast_in_dim3A_159 = vector.broadcast %broadcast_in_dim3A_158 : i32 to vector<16xi32>
      %gt3A_160 = arith.cmpf ogt, %get3A_67, %select_n3A_156 : vector<16xf32>
      %gt3A_161 = arith.cmpf ogt, %get3A_67, %select_n3A_153 : vector<16xf32>
      %select_n3A_162 = arith.select %gt3A_161, %get3A_67, %select_n3A_153 : vector<16xi1>, vector<16xf32>
      %select_n3A_163 = arith.select %gt3A_160, %select_n3A_156, %select_n3A_162 : vector<16xi1>, vector<16xf32>
      %select_n3A_164 = arith.select %gt3A_161, %broadcast_in_dim3A_159, %select_n3A_155 : vector<16xi1>, vector<16xi32>
      %select_n3A_165 = arith.select %gt3A_160, %select_n3A_157, %select_n3A_164 : vector<16xi1>, vector<16xi32>
      %select_n3A_166 = arith.select %gt3A_160, %get3A_67, %select_n3A_156 : vector<16xi1>, vector<16xf32>
      %select_n3A_167 = arith.select %gt3A_160, %broadcast_in_dim3A_159, %select_n3A_157 : vector<16xi1>, vector<16xi32>
      %broadcast_in_dim3A_168 = arith.constant 7 : i32
      %broadcast_in_dim3A_169 = vector.broadcast %broadcast_in_dim3A_168 : i32 to vector<16xi32>
      %gt3A_170 = arith.cmpf ogt, %get3A_71, %select_n3A_166 : vector<16xf32>
      %gt3A_171 = arith.cmpf ogt, %get3A_71, %select_n3A_163 : vector<16xf32>
      %select_n3A_172 = arith.select %gt3A_171, %get3A_71, %select_n3A_163 : vector<16xi1>, vector<16xf32>
      %select_n3A_173 = arith.select %gt3A_170, %select_n3A_166, %select_n3A_172 : vector<16xi1>, vector<16xf32>
      %select_n3A_174 = arith.select %gt3A_171, %broadcast_in_dim3A_169, %select_n3A_165 : vector<16xi1>, vector<16xi32>
      %select_n3A_175 = arith.select %gt3A_170, %select_n3A_167, %select_n3A_174 : vector<16xi1>, vector<16xi32>
      %select_n3A_176 = arith.select %gt3A_170, %get3A_71, %select_n3A_166 : vector<16xi1>, vector<16xf32>
      %select_n3A_177 = arith.select %gt3A_170, %broadcast_in_dim3A_169, %select_n3A_167 : vector<16xi1>, vector<16xi32>
      %broadcast_in_dim3A_178 = arith.constant 8 : i32
      %broadcast_in_dim3A_179 = vector.broadcast %broadcast_in_dim3A_178 : i32 to vector<16xi32>
      %gt3A_180 = arith.cmpf ogt, %get3A_75, %select_n3A_176 : vector<16xf32>
      %gt3A_181 = arith.cmpf ogt, %get3A_75, %select_n3A_173 : vector<16xf32>
      %select_n3A_182 = arith.select %gt3A_181, %get3A_75, %select_n3A_173 : vector<16xi1>, vector<16xf32>
      %select_n3A_183 = arith.select %gt3A_180, %select_n3A_176, %select_n3A_182 : vector<16xi1>, vector<16xf32>
      %select_n3A_184 = arith.select %gt3A_181, %broadcast_in_dim3A_179, %select_n3A_175 : vector<16xi1>, vector<16xi32>
      %select_n3A_185 = arith.select %gt3A_180, %select_n3A_177, %select_n3A_184 : vector<16xi1>, vector<16xi32>
      %select_n3A_186 = arith.select %gt3A_180, %get3A_75, %select_n3A_176 : vector<16xi1>, vector<16xf32>
      %select_n3A_187 = arith.select %gt3A_180, %broadcast_in_dim3A_179, %select_n3A_177 : vector<16xi1>, vector<16xi32>
      %broadcast_in_dim3A_188 = arith.constant 9 : i32
      %broadcast_in_dim3A_189 = vector.broadcast %broadcast_in_dim3A_188 : i32 to vector<16xi32>
      %gt3A_190 = arith.cmpf ogt, %get3A_79, %select_n3A_186 : vector<16xf32>
      %gt3A_191 = arith.cmpf ogt, %get3A_79, %select_n3A_183 : vector<16xf32>
      %select_n3A_192 = arith.select %gt3A_191, %get3A_79, %select_n3A_183 : vector<16xi1>, vector<16xf32>
      %select_n3A_193 = arith.select %gt3A_190, %select_n3A_186, %select_n3A_192 : vector<16xi1>, vector<16xf32>
      %select_n3A_194 = arith.select %gt3A_191, %broadcast_in_dim3A_189, %select_n3A_185 : vector<16xi1>, vector<16xi32>
      %select_n3A_195 = arith.select %gt3A_190, %select_n3A_187, %select_n3A_194 : vector<16xi1>, vector<16xi32>
      %select_n3A_196 = arith.select %gt3A_190, %get3A_79, %select_n3A_186 : vector<16xi1>, vector<16xf32>
      %select_n3A_197 = arith.select %gt3A_190, %broadcast_in_dim3A_189, %select_n3A_187 : vector<16xi1>, vector<16xi32>
      %broadcast_in_dim3A_198 = arith.constant 10 : i32
      %broadcast_in_dim3A_199 = vector.broadcast %broadcast_in_dim3A_198 : i32 to vector<16xi32>
      %gt3A_200 = arith.cmpf ogt, %get3A_83, %select_n3A_196 : vector<16xf32>
      %gt3A_201 = arith.cmpf ogt, %get3A_83, %select_n3A_193 : vector<16xf32>
      %select_n3A_202 = arith.select %gt3A_201, %get3A_83, %select_n3A_193 : vector<16xi1>, vector<16xf32>
      %select_n3A_203 = arith.select %gt3A_200, %select_n3A_196, %select_n3A_202 : vector<16xi1>, vector<16xf32>
      %select_n3A_204 = arith.select %gt3A_201, %broadcast_in_dim3A_199, %select_n3A_195 : vector<16xi1>, vector<16xi32>
      %select_n3A_205 = arith.select %gt3A_200, %select_n3A_197, %select_n3A_204 : vector<16xi1>, vector<16xi32>
      %select_n3A_206 = arith.select %gt3A_200, %get3A_83, %select_n3A_196 : vector<16xi1>, vector<16xf32>
      %select_n3A_207 = arith.select %gt3A_200, %broadcast_in_dim3A_199, %select_n3A_197 : vector<16xi1>, vector<16xi32>
      %broadcast_in_dim3A_208 = arith.constant 11 : i32
      %broadcast_in_dim3A_209 = vector.broadcast %broadcast_in_dim3A_208 : i32 to vector<16xi32>
      %gt3A_210 = arith.cmpf ogt, %get3A_87, %select_n3A_206 : vector<16xf32>
      %gt3A_211 = arith.cmpf ogt, %get3A_87, %select_n3A_203 : vector<16xf32>
      %select_n3A_212 = arith.select %gt3A_211, %get3A_87, %select_n3A_203 : vector<16xi1>, vector<16xf32>
      %select_n3A_213 = arith.select %gt3A_210, %select_n3A_206, %select_n3A_212 : vector<16xi1>, vector<16xf32>
      %select_n3A_214 = arith.select %gt3A_211, %broadcast_in_dim3A_209, %select_n3A_205 : vector<16xi1>, vector<16xi32>
      %select_n3A_215 = arith.select %gt3A_210, %select_n3A_207, %select_n3A_214 : vector<16xi1>, vector<16xi32>
      %select_n3A_216 = arith.select %gt3A_210, %get3A_87, %select_n3A_206 : vector<16xi1>, vector<16xf32>
      %select_n3A_217 = arith.select %gt3A_210, %broadcast_in_dim3A_209, %select_n3A_207 : vector<16xi1>, vector<16xi32>
      %broadcast_in_dim3A_218 = arith.constant 12 : i32
      %broadcast_in_dim3A_219 = vector.broadcast %broadcast_in_dim3A_218 : i32 to vector<16xi32>
      %gt3A_220 = arith.cmpf ogt, %get3A_91, %select_n3A_216 : vector<16xf32>
      %gt3A_221 = arith.cmpf ogt, %get3A_91, %select_n3A_213 : vector<16xf32>
      %select_n3A_222 = arith.select %gt3A_221, %get3A_91, %select_n3A_213 : vector<16xi1>, vector<16xf32>
      %select_n3A_223 = arith.select %gt3A_220, %select_n3A_216, %select_n3A_222 : vector<16xi1>, vector<16xf32>
      %select_n3A_224 = arith.select %gt3A_221, %broadcast_in_dim3A_219, %select_n3A_215 : vector<16xi1>, vector<16xi32>
      %select_n3A_225 = arith.select %gt3A_220, %select_n3A_217, %select_n3A_224 : vector<16xi1>, vector<16xi32>
      %select_n3A_226 = arith.select %gt3A_220, %get3A_91, %select_n3A_216 : vector<16xi1>, vector<16xf32>
      %select_n3A_227 = arith.select %gt3A_220, %broadcast_in_dim3A_219, %select_n3A_217 : vector<16xi1>, vector<16xi32>
      %broadcast_in_dim3A_228 = arith.constant 13 : i32
      %broadcast_in_dim3A_229 = vector.broadcast %broadcast_in_dim3A_228 : i32 to vector<16xi32>
      %gt3A_230 = arith.cmpf ogt, %get3A_95, %select_n3A_226 : vector<16xf32>
      %gt3A_231 = arith.cmpf ogt, %get3A_95, %select_n3A_223 : vector<16xf32>
      %select_n3A_232 = arith.select %gt3A_231, %get3A_95, %select_n3A_223 : vector<16xi1>, vector<16xf32>
      %select_n3A_233 = arith.select %gt3A_230, %select_n3A_226, %select_n3A_232 : vector<16xi1>, vector<16xf32>
      %select_n3A_234 = arith.select %gt3A_231, %broadcast_in_dim3A_229, %select_n3A_225 : vector<16xi1>, vector<16xi32>
      %select_n3A_235 = arith.select %gt3A_230, %select_n3A_227, %select_n3A_234 : vector<16xi1>, vector<16xi32>
      %select_n3A_236 = arith.select %gt3A_230, %get3A_95, %select_n3A_226 : vector<16xi1>, vector<16xf32>
      %select_n3A_237 = arith.select %gt3A_230, %broadcast_in_dim3A_229, %select_n3A_227 : vector<16xi1>, vector<16xi32>
      %broadcast_in_dim3A_238 = arith.constant 14 : i32
      %broadcast_in_dim3A_239 = vector.broadcast %broadcast_in_dim3A_238 : i32 to vector<16xi32>
      %gt3A_240 = arith.cmpf ogt, %get3A_99, %select_n3A_236 : vector<16xf32>
      %gt3A_241 = arith.cmpf ogt, %get3A_99, %select_n3A_233 : vector<16xf32>
      %select_n3A_242 = arith.select %gt3A_241, %get3A_99, %select_n3A_233 : vector<16xi1>, vector<16xf32>
      %select_n3A_243 = arith.select %gt3A_240, %select_n3A_236, %select_n3A_242 : vector<16xi1>, vector<16xf32>
      %select_n3A_244 = arith.select %gt3A_241, %broadcast_in_dim3A_239, %select_n3A_235 : vector<16xi1>, vector<16xi32>
      %select_n3A_245 = arith.select %gt3A_240, %select_n3A_237, %select_n3A_244 : vector<16xi1>, vector<16xi32>
      %select_n3A_246 = arith.select %gt3A_240, %get3A_99, %select_n3A_236 : vector<16xi1>, vector<16xf32>
      %select_n3A_247 = arith.select %gt3A_240, %broadcast_in_dim3A_239, %select_n3A_237 : vector<16xi1>, vector<16xi32>
      %broadcast_in_dim3A_248 = arith.constant 15 : i32
      %broadcast_in_dim3A_249 = vector.broadcast %broadcast_in_dim3A_248 : i32 to vector<16xi32>
      %gt3A_250 = arith.cmpf ogt, %get3A_103, %select_n3A_246 : vector<16xf32>
      %gt3A_251 = arith.cmpf ogt, %get3A_103, %select_n3A_243 : vector<16xf32>
      %select_n3A_252 = arith.select %gt3A_251, %get3A_103, %select_n3A_243 : vector<16xi1>, vector<16xf32>
      %select_n3A_253 = arith.select %gt3A_250, %select_n3A_246, %select_n3A_252 : vector<16xi1>, vector<16xf32>
      %select_n3A_254 = arith.select %gt3A_251, %broadcast_in_dim3A_249, %select_n3A_245 : vector<16xi1>, vector<16xi32>
      %select_n3A_255 = arith.select %gt3A_250, %select_n3A_247, %select_n3A_254 : vector<16xi1>, vector<16xi32>
      %select_n3A_256 = arith.select %gt3A_250, %get3A_103, %select_n3A_246 : vector<16xi1>, vector<16xf32>
      %select_n3A_257 = arith.select %gt3A_250, %broadcast_in_dim3A_249, %select_n3A_247 : vector<16xi1>, vector<16xi32>
      %broadcast_in_dim3A_258 = arith.constant 0 : i32
      %broadcast_in_dim3A_259 = vector.broadcast %broadcast_in_dim3A_258 : i32 to vector<16xi32>
      %eq3A_260 = arith.cmpi eq, %select_n3A_257, %broadcast_in_dim3A_259 : vector<16xi32>
      %eq3A_261 = arith.cmpi eq, %select_n3A_255, %broadcast_in_dim3A_259 : vector<16xi32>
      %or3A = arith.ori %eq3A_260, %eq3A_261 : vector<16xi1>
      %jit3A_262 = arith.constant 0.000000e+00 : f32
      %broadcast_in_dim3A_263 = vector.broadcast %jit3A_262 : f32 to vector<16xf32>
      %select_n3A_264 = arith.select %or3A, %get3A_43, %broadcast_in_dim3A_263 : vector<16xi1>, vector<16xf32>
      %swap3A = arith.constant 0 : i32
      %swap3A_265 = arith.index_cast %swap3A : i32 to index
      %swap3A_266 = arith.index_cast %mul3A_40 : i32 to index
      %swap3A_267 = tpu.vector_load %arg5[%swap3A_265, %swap3A_266] {strides = array<i32>} : memref<16x512xf32, #tpu.memory_space<vmem>>, vector<16xf32>,
      tpu.vector_store %arg5[%swap3A_265, %swap3A_266], %select_n3A_264 {strides = array<i32>} : memref<16x512xf32, #tpu.memory_space<vmem>>, vector<16xf32>,
      %broadcast_in_dim3A_268 = arith.constant 1 : i32
      %broadcast_in_dim3A_269 = vector.broadcast %broadcast_in_dim3A_268 : i32 to vector<16xi32>
      %eq3A_270 = arith.cmpi eq, %select_n3A_257, %broadcast_in_dim3A_269 : vector<16xi32>
      %eq3A_271 = arith.cmpi eq, %select_n3A_255, %broadcast_in_dim3A_269 : vector<16xi32>
      %or3A_272 = arith.ori %eq3A_270, %eq3A_271 : vector<16xi1>
      %jit3A_273 = arith.constant 0.000000e+00 : f32
      %broadcast_in_dim3A_274 = vector.broadcast %jit3A_273 : f32 to vector<16xf32>
      %select_n3A_275 = arith.select %or3A_272, %get3A_47, %broadcast_in_dim3A_274 : vector<16xi1>, vector<16xf32>
      %swap3A_276 = arith.constant 1 : i32
      %swap3A_277 = arith.index_cast %swap3A_276 : i32 to index
      %swap3A_278 = arith.index_cast %mul3A_40 : i32 to index
      %swap3A_279 = tpu.vector_load %arg5[%swap3A_277, %swap3A_278] {strides = array<i32>} : memref<16x512xf32, #tpu.memory_space<vmem>>, vector<16xf32>,
      tpu.vector_store %arg5[%swap3A_277, %swap3A_278], %select_n3A_275 {strides = array<i32>} : memref<16x512xf32, #tpu.memory_space<vmem>>, vector<16xf32>,
      %broadcast_in_dim3A_280 = arith.constant 2 : i32
      %broadcast_in_dim3A_281 = vector.broadcast %broadcast_in_dim3A_280 : i32 to vector<16xi32>
      %eq3A_282 = arith.cmpi eq, %select_n3A_257, %broadcast_in_dim3A_281 : vector<16xi32>
      %eq3A_283 = arith.cmpi eq, %select_n3A_255, %broadcast_in_dim3A_281 : vector<16xi32>
      %or3A_284 = arith.ori %eq3A_282, %eq3A_283 : vector<16xi1>
      %jit3A_285 = arith.constant 0.000000e+00 : f32
      %broadcast_in_dim3A_286 = vector.broadcast %jit3A_285 : f32 to vector<16xf32>
      %select_n3A_287 = arith.select %or3A_284, %get3A_51, %broadcast_in_dim3A_286 : vector<16xi1>, vector<16xf32>
      %swap3A_288 = arith.constant 2 : i32
      %swap3A_289 = arith.index_cast %swap3A_288 : i32 to index
      %swap3A_290 = arith.index_cast %mul3A_40 : i32 to index
      %swap3A_291 = tpu.vector_load %arg5[%swap3A_289, %swap3A_290] {strides = array<i32>} : memref<16x512xf32, #tpu.memory_space<vmem>>, vector<16xf32>,
      tpu.vector_store %arg5[%swap3A_289, %swap3A_290], %select_n3A_287 {strides = array<i32>} : memref<16x512xf32, #tpu.memory_space<vmem>>, vector<16xf32>,
      %broadcast_in_dim3A_292 = arith.constant 3 : i32
      %broadcast_in_dim3A_293 = vector.broadcast %broadcast_in_dim3A_292 : i32 to vector<16xi32>
      %eq3A_294 = arith.cmpi eq, %select_n3A_257, %broadcast_in_dim3A_293 : vector<16xi32>
      %eq3A_295 = arith.cmpi eq, %select_n3A_255, %broadcast_in_dim3A_293 : vector<16xi32>
      %or3A_296 = arith.ori %eq3A_294, %eq3A_295 : vector<16xi1>
      %jit3A_297 = arith.constant 0.000000e+00 : f32
      %broadcast_in_dim3A_298 = vector.broadcast %jit3A_297 : f32 to vector<16xf32>
      %select_n3A_299 = arith.select %or3A_296, %get3A_55, %broadcast_in_dim3A_298 : vector<16xi1>, vector<16xf32>
      %swap3A_300 = arith.constant 3 : i32
      %swap3A_301 = arith.index_cast %swap3A_300 : i32 to index
      %swap3A_302 = arith.index_cast %mul3A_40 : i32 to index
      %swap3A_303 = tpu.vector_load %arg5[%swap3A_301, %swap3A_302] {strides = array<i32>} : memref<16x512xf32, #tpu.memory_space<vmem>>, vector<16xf32>,
      tpu.vector_store %arg5[%swap3A_301, %swap3A_302], %select_n3A_299 {strides = array<i32>} : memref<16x512xf32, #tpu.memory_space<vmem>>, vector<16xf32>,
      %broadcast_in_dim3A_304 = arith.constant 4 : i32
      %broadcast_in_dim3A_305 = vector.broadcast %broadcast_in_dim3A_304 : i32 to vector<16xi32>
      %eq3A_306 = arith.cmpi eq, %select_n3A_257, %broadcast_in_dim3A_305 : vector<16xi32>
      %eq3A_307 = arith.cmpi eq, %select_n3A_255, %broadcast_in_dim3A_305 : vector<16xi32>
      %or3A_308 = arith.ori %eq3A_306, %eq3A_307 : vector<16xi1>
      %jit3A_309 = arith.constant 0.000000e+00 : f32
      %broadcast_in_dim3A_310 = vector.broadcast %jit3A_309 : f32 to vector<16xf32>
      %select_n3A_311 = arith.select %or3A_308, %get3A_59, %broadcast_in_dim3A_310 : vector<16xi1>, vector<16xf32>
      %swap3A_312 = arith.constant 4 : i32
      %swap3A_313 = arith.index_cast %swap3A_312 : i32 to index
      %swap3A_314 = arith.index_cast %mul3A_40 : i32 to index
      %swap3A_315 = tpu.vector_load %arg5[%swap3A_313, %swap3A_314] {strides = array<i32>} : memref<16x512xf32, #tpu.memory_space<vmem>>, vector<16xf32>,
      tpu.vector_store %arg5[%swap3A_313, %swap3A_314], %select_n3A_311 {strides = array<i32>} : memref<16x512xf32, #tpu.memory_space<vmem>>, vector<16xf32>,
      %broadcast_in_dim3A_316 = arith.constant 5 : i32
      %broadcast_in_dim3A_317 = vector.broadcast %broadcast_in_dim3A_316 : i32 to vector<16xi32>
      %eq3A_318 = arith.cmpi eq, %select_n3A_257, %broadcast_in_dim3A_317 : vector<16xi32>
      %eq3A_319 = arith.cmpi eq, %select_n3A_255, %broadcast_in_dim3A_317 : vector<16xi32>
      %or3A_320 = arith.ori %eq3A_318, %eq3A_319 : vector<16xi1>
      %jit3A_321 = arith.constant 0.000000e+00 : f32
      %broadcast_in_dim3A_322 = vector.broadcast %jit3A_321 : f32 to vector<16xf32>
      %select_n3A_323 = arith.select %or3A_320, %get3A_63, %broadcast_in_dim3A_322 : vector<16xi1>, vector<16xf32>
      %swap3A_324 = arith.constant 5 : i32
      %swap3A_325 = arith.index_cast %swap3A_324 : i32 to index
      %swap3A_326 = arith.index_cast %mul3A_40 : i32 to index
      %swap3A_327 = tpu.vector_load %arg5[%swap3A_325, %swap3A_326] {strides = array<i32>} : memref<16x512xf32, #tpu.memory_space<vmem>>, vector<16xf32>,
      tpu.vector_store %arg5[%swap3A_325, %swap3A_326], %select_n3A_323 {strides = array<i32>} : memref<16x512xf32, #tpu.memory_space<vmem>>, vector<16xf32>,
      %broadcast_in_dim3A_328 = arith.constant 6 : i32
      %broadcast_in_dim3A_329 = vector.broadcast %broadcast_in_dim3A_328 : i32 to vector<16xi32>
      %eq3A_330 = arith.cmpi eq, %select_n3A_257, %broadcast_in_dim3A_329 : vector<16xi32>
      %eq3A_331 = arith.cmpi eq, %select_n3A_255, %broadcast_in_dim3A_329 : vector<16xi32>
      %or3A_332 = arith.ori %eq3A_330, %eq3A_331 : vector<16xi1>
      %jit3A_333 = arith.constant 0.000000e+00 : f32
      %broadcast_in_dim3A_334 = vector.broadcast %jit3A_333 : f32 to vector<16xf32>
      %select_n3A_335 = arith.select %or3A_332, %get3A_67, %broadcast_in_dim3A_334 : vector<16xi1>, vector<16xf32>
      %swap3A_336 = arith.constant 6 : i32
      %swap3A_337 = arith.index_cast %swap3A_336 : i32 to index
      %swap3A_338 = arith.index_cast %mul3A_40 : i32 to index
      %swap3A_339 = tpu.vector_load %arg5[%swap3A_337, %swap3A_338] {strides = array<i32>} : memref<16x512xf32, #tpu.memory_space<vmem>>, vector<16xf32>,
      tpu.vector_store %arg5[%swap3A_337, %swap3A_338], %select_n3A_335 {strides = array<i32>} : memref<16x512xf32, #tpu.memory_space<vmem>>, vector<16xf32>,
      %broadcast_in_dim3A_340 = arith.constant 7 : i32
      %broadcast_in_dim3A_341 = vector.broadcast %broadcast_in_dim3A_340 : i32 to vector<16xi32>
      %eq3A_342 = arith.cmpi eq, %select_n3A_257, %broadcast_in_dim3A_341 : vector<16xi32>
      %eq3A_343 = arith.cmpi eq, %select_n3A_255, %broadcast_in_dim3A_341 : vector<16xi32>
      %or3A_344 = arith.ori %eq3A_342, %eq3A_343 : vector<16xi1>
      %jit3A_345 = arith.constant 0.000000e+00 : f32
      %broadcast_in_dim3A_346 = vector.broadcast %jit3A_345 : f32 to vector<16xf32>
      %select_n3A_347 = arith.select %or3A_344, %get3A_71, %broadcast_in_dim3A_346 : vector<16xi1>, vector<16xf32>
      %swap3A_348 = arith.constant 7 : i32
      %swap3A_349 = arith.index_cast %swap3A_348 : i32 to index
      %swap3A_350 = arith.index_cast %mul3A_40 : i32 to index
      %swap3A_351 = tpu.vector_load %arg5[%swap3A_349, %swap3A_350] {strides = array<i32>} : memref<16x512xf32, #tpu.memory_space<vmem>>, vector<16xf32>,
      tpu.vector_store %arg5[%swap3A_349, %swap3A_350], %select_n3A_347 {strides = array<i32>} : memref<16x512xf32, #tpu.memory_space<vmem>>, vector<16xf32>,
      %broadcast_in_dim3A_352 = arith.constant 8 : i32
      %broadcast_in_dim3A_353 = vector.broadcast %broadcast_in_dim3A_352 : i32 to vector<16xi32>
      %eq3A_354 = arith.cmpi eq, %select_n3A_257, %broadcast_in_dim3A_353 : vector<16xi32>
      %eq3A_355 = arith.cmpi eq, %select_n3A_255, %broadcast_in_dim3A_353 : vector<16xi32>
      %or3A_356 = arith.ori %eq3A_354, %eq3A_355 : vector<16xi1>
      %jit3A_357 = arith.constant 0.000000e+00 : f32
      %broadcast_in_dim3A_358 = vector.broadcast %jit3A_357 : f32 to vector<16xf32>
      %select_n3A_359 = arith.select %or3A_356, %get3A_75, %broadcast_in_dim3A_358 : vector<16xi1>, vector<16xf32>
      %swap3A_360 = arith.constant 8 : i32
      %swap3A_361 = arith.index_cast %swap3A_360 : i32 to index
      %swap3A_362 = arith.index_cast %mul3A_40 : i32 to index
      %swap3A_363 = tpu.vector_load %arg5[%swap3A_361, %swap3A_362] {strides = array<i32>} : memref<16x512xf32, #tpu.memory_space<vmem>>, vector<16xf32>,
      tpu.vector_store %arg5[%swap3A_361, %swap3A_362], %select_n3A_359 {strides = array<i32>} : memref<16x512xf32, #tpu.memory_space<vmem>>, vector<16xf32>,
      %broadcast_in_dim3A_364 = arith.constant 9 : i32
      %broadcast_in_dim3A_365 = vector.broadcast %broadcast_in_dim3A_364 : i32 to vector<16xi32>
      %eq3A_366 = arith.cmpi eq, %select_n3A_257, %broadcast_in_dim3A_365 : vector<16xi32>
      %eq3A_367 = arith.cmpi eq, %select_n3A_255, %broadcast_in_dim3A_365 : vector<16xi32>
      %or3A_368 = arith.ori %eq3A_366, %eq3A_367 : vector<16xi1>
      %jit3A_369 = arith.constant 0.000000e+00 : f32
      %broadcast_in_dim3A_370 = vector.broadcast %jit3A_369 : f32 to vector<16xf32>
      %select_n3A_371 = arith.select %or3A_368, %get3A_79, %broadcast_in_dim3A_370 : vector<16xi1>, vector<16xf32>
      %swap3A_372 = arith.constant 9 : i32
      %swap3A_373 = arith.index_cast %swap3A_372 : i32 to index
      %swap3A_374 = arith.index_cast %mul3A_40 : i32 to index
      %swap3A_375 = tpu.vector_load %arg5[%swap3A_373, %swap3A_374] {strides = array<i32>} : memref<16x512xf32, #tpu.memory_space<vmem>>, vector<16xf32>,
      tpu.vector_store %arg5[%swap3A_373, %swap3A_374], %select_n3A_371 {strides = array<i32>} : memref<16x512xf32, #tpu.memory_space<vmem>>, vector<16xf32>,
      %broadcast_in_dim3A_376 = arith.constant 10 : i32
      %broadcast_in_dim3A_377 = vector.broadcast %broadcast_in_dim3A_376 : i32 to vector<16xi32>
      %eq3A_378 = arith.cmpi eq, %select_n3A_257, %broadcast_in_dim3A_377 : vector<16xi32>
      %eq3A_379 = arith.cmpi eq, %select_n3A_255, %broadcast_in_dim3A_377 : vector<16xi32>
      %or3A_380 = arith.ori %eq3A_378, %eq3A_379 : vector<16xi1>
      %jit3A_381 = arith.constant 0.000000e+00 : f32
      %broadcast_in_dim3A_382 = vector.broadcast %jit3A_381 : f32 to vector<16xf32>
      %select_n3A_383 = arith.select %or3A_380, %get3A_83, %broadcast_in_dim3A_382 : vector<16xi1>, vector<16xf32>
      %swap3A_384 = arith.constant 10 : i32
      %swap3A_385 = arith.index_cast %swap3A_384 : i32 to index
      %swap3A_386 = arith.index_cast %mul3A_40 : i32 to index
      %swap3A_387 = tpu.vector_load %arg5[%swap3A_385, %swap3A_386] {strides = array<i32>} : memref<16x512xf32, #tpu.memory_space<vmem>>, vector<16xf32>,
      tpu.vector_store %arg5[%swap3A_385, %swap3A_386], %select_n3A_383 {strides = array<i32>} : memref<16x512xf32, #tpu.memory_space<vmem>>, vector<16xf32>,
      %broadcast_in_dim3A_388 = arith.constant 11 : i32
      %broadcast_in_dim3A_389 = vector.broadcast %broadcast_in_dim3A_388 : i32 to vector<16xi32>
      %eq3A_390 = arith.cmpi eq, %select_n3A_257, %broadcast_in_dim3A_389 : vector<16xi32>
      %eq3A_391 = arith.cmpi eq, %select_n3A_255, %broadcast_in_dim3A_389 : vector<16xi32>
      %or3A_392 = arith.ori %eq3A_390, %eq3A_391 : vector<16xi1>
      %jit3A_393 = arith.constant 0.000000e+00 : f32
      %broadcast_in_dim3A_394 = vector.broadcast %jit3A_393 : f32 to vector<16xf32>
      %select_n3A_395 = arith.select %or3A_392, %get3A_87, %broadcast_in_dim3A_394 : vector<16xi1>, vector<16xf32>
      %swap3A_396 = arith.constant 11 : i32
      %swap3A_397 = arith.index_cast %swap3A_396 : i32 to index
      %swap3A_398 = arith.index_cast %mul3A_40 : i32 to index
      %swap3A_399 = tpu.vector_load %arg5[%swap3A_397, %swap3A_398] {strides = array<i32>} : memref<16x512xf32, #tpu.memory_space<vmem>>, vector<16xf32>,
      tpu.vector_store %arg5[%swap3A_397, %swap3A_398], %select_n3A_395 {strides = array<i32>} : memref<16x512xf32, #tpu.memory_space<vmem>>, vector<16xf32>,
      %broadcast_in_dim3A_400 = arith.constant 12 : i32
      %broadcast_in_dim3A_401 = vector.broadcast %broadcast_in_dim3A_400 : i32 to vector<16xi32>
      %eq3A_402 = arith.cmpi eq, %select_n3A_257, %broadcast_in_dim3A_401 : vector<16xi32>
      %eq3A_403 = arith.cmpi eq, %select_n3A_255, %broadcast_in_dim3A_401 : vector<16xi32>
      %or3A_404 = arith.ori %eq3A_402, %eq3A_403 : vector<16xi1>
      %jit3A_405 = arith.constant 0.000000e+00 : f32
      %broadcast_in_dim3A_406 = vector.broadcast %jit3A_405 : f32 to vector<16xf32>
      %select_n3A_407 = arith.select %or3A_404, %get3A_91, %broadcast_in_dim3A_406 : vector<16xi1>, vector<16xf32>
      %swap3A_408 = arith.constant 12 : i32
      %swap3A_409 = arith.index_cast %swap3A_408 : i32 to index
      %swap3A_410 = arith.index_cast %mul3A_40 : i32 to index
      %swap3A_411 = tpu.vector_load %arg5[%swap3A_409, %swap3A_410] {strides = array<i32>} : memref<16x512xf32, #tpu.memory_space<vmem>>, vector<16xf32>,
      tpu.vector_store %arg5[%swap3A_409, %swap3A_410], %select_n3A_407 {strides = array<i32>} : memref<16x512xf32, #tpu.memory_space<vmem>>, vector<16xf32>,
      %broadcast_in_dim3A_412 = arith.constant 13 : i32
      %broadcast_in_dim3A_413 = vector.broadcast %broadcast_in_dim3A_412 : i32 to vector<16xi32>
      %eq3A_414 = arith.cmpi eq, %select_n3A_257, %broadcast_in_dim3A_413 : vector<16xi32>
      %eq3A_415 = arith.cmpi eq, %select_n3A_255, %broadcast_in_dim3A_413 : vector<16xi32>
      %or3A_416 = arith.ori %eq3A_414, %eq3A_415 : vector<16xi1>
      %jit3A_417 = arith.constant 0.000000e+00 : f32
      %broadcast_in_dim3A_418 = vector.broadcast %jit3A_417 : f32 to vector<16xf32>
      %select_n3A_419 = arith.select %or3A_416, %get3A_95, %broadcast_in_dim3A_418 : vector<16xi1>, vector<16xf32>
      %swap3A_420 = arith.constant 13 : i32
      %swap3A_421 = arith.index_cast %swap3A_420 : i32 to index
      %swap3A_422 = arith.index_cast %mul3A_40 : i32 to index
      %swap3A_423 = tpu.vector_load %arg5[%swap3A_421, %swap3A_422] {strides = array<i32>} : memref<16x512xf32, #tpu.memory_space<vmem>>, vector<16xf32>,
      tpu.vector_store %arg5[%swap3A_421, %swap3A_422], %select_n3A_419 {strides = array<i32>} : memref<16x512xf32, #tpu.memory_space<vmem>>, vector<16xf32>,
      %broadcast_in_dim3A_424 = arith.constant 14 : i32
      %broadcast_in_dim3A_425 = vector.broadcast %broadcast_in_dim3A_424 : i32 to vector<16xi32>
      %eq3A_426 = arith.cmpi eq, %select_n3A_257, %broadcast_in_dim3A_425 : vector<16xi32>
      %eq3A_427 = arith.cmpi eq, %select_n3A_255, %broadcast_in_dim3A_425 : vector<16xi32>
      %or3A_428 = arith.ori %eq3A_426, %eq3A_427 : vector<16xi1>
      %jit3A_429 = arith.constant 0.000000e+00 : f32
      %broadcast_in_dim3A_430 = vector.broadcast %jit3A_429 : f32 to vector<16xf32>
      %select_n3A_431 = arith.select %or3A_428, %get3A_99, %broadcast_in_dim3A_430 : vector<16xi1>, vector<16xf32>
      %swap3A_432 = arith.constant 14 : i32
      %swap3A_433 = arith.index_cast %swap3A_432 : i32 to index
      %swap3A_434 = arith.index_cast %mul3A_40 : i32 to index
      %swap3A_435 = tpu.vector_load %arg5[%swap3A_433, %swap3A_434] {strides = array<i32>} : memref<16x512xf32, #tpu.memory_space<vmem>>, vector<16xf32>,
      tpu.vector_store %arg5[%swap3A_433, %swap3A_434], %select_n3A_431 {strides = array<i32>} : memref<16x512xf32, #tpu.memory_space<vmem>>, vector<16xf32>,
      %broadcast_in_dim3A_436 = arith.constant 15 : i32
      %broadcast_in_dim3A_437 = vector.broadcast %broadcast_in_dim3A_436 : i32 to vector<16xi32>
      %eq3A_438 = arith.cmpi eq, %select_n3A_257, %broadcast_in_dim3A_437 : vector<16xi32>
      %eq3A_439 = arith.cmpi eq, %select_n3A_255, %broadcast_in_dim3A_437 : vector<16xi32>
      %or3A_440 = arith.ori %eq3A_438, %eq3A_439 : vector<16xi1>
      %jit3A_441 = arith.constant 0.000000e+00 : f32
      %broadcast_in_dim3A_442 = vector.broadcast %jit3A_441 : f32 to vector<16xf32>
      %select_n3A_443 = arith.select %or3A_440, %get3A_103, %broadcast_in_dim3A_442 : vector<16xi1>, vector<16xf32>
      %swap3A_444 = arith.constant 15 : i32
      %swap3A_445 = arith.index_cast %swap3A_444 : i32 to index
      %swap3A_446 = arith.index_cast %mul3A_40 : i32 to index
      %swap3A_447 = tpu.vector_load %arg5[%swap3A_445, %swap3A_446] {strides = array<i32>} : memref<16x512xf32, #tpu.memory_space<vmem>>, vector<16xf32>,
      tpu.vector_store %arg5[%swap3A_445, %swap3A_446], %select_n3A_443 {strides = array<i32>} : memref<16x512xf32, #tpu.memory_space<vmem>>, vector<16xf32>,
    }
    %scan3A_37 = arith.constant 32 : i32
    "tpu.region"() ({
      %run_scoped3A = tpu.sem_alloc : memref<!tpu.dma_semaphore, #tpu.memory_space<semaphore_mem>>
      %dma_start3A = arith.constant 0 : i32
      %dma_start3A_38 = tpu.memref_slice %arg3[%select_n3A, %dma_start3A, %mul3A_32] : memref<4x16x4096xf32, #tpu.memory_space<hbm>> -> memref<1x16x512xf32, #tpu.memory_space<hbm>>
      %dma_start3A_39 = tpu.memref_squeeze %dma_start3A_38 : memref<1x16x512xf32, #tpu.memory_space<hbm>> -> memref<16x512xf32, #tpu.memory_space<hbm>>
      %dma_start3A_40 = arith.constant 0 : i32
      %dma_start3A_41 = tpu.memref_slice %arg3[%select_n3A, %dma_start3A_40, %mul3A_32] : memref<4x16x4096xf32, #tpu.memory_space<hbm>> -> memref<1x16x512xf32, #tpu.memory_space<hbm>>
      %dma_start3A_42 = tpu.memref_squeeze %dma_start3A_41 : memref<1x16x512xf32, #tpu.memory_space<hbm>> -> memref<16x512xf32, #tpu.memory_space<hbm>>
      tpu.enqueue_dma source(%arg5 : memref<16x512xf32, #tpu.memory_space<vmem>>) target(%dma_start3A_42 : memref<16x512xf32, #tpu.memory_space<hbm>>) target_semaphore(%run_scoped3A : memref<!tpu.dma_semaphore, #tpu.memory_space<semaphore_mem>>)
      %dma_wait3A = arith.constant 0 : i32
      %dma_wait3A_43 = tpu.memref_slice %arg3[%select_n3A, %dma_wait3A, %mul3A_32] : memref<4x16x4096xf32, #tpu.memory_space<hbm>> -> memref<1x16x512xf32, #tpu.memory_space<hbm>>
      %dma_wait3A_44 = tpu.memref_squeeze %dma_wait3A_43 : memref<1x16x512xf32, #tpu.memory_space<hbm>> -> memref<16x512xf32, #tpu.memory_space<hbm>>
      %dma_wait3A_45 = arith.constant 0 : i32
      %dma_wait3A_46 = tpu.memref_slice %arg3[%select_n3A, %dma_wait3A_45, %mul3A_32] : memref<4x16x4096xf32, #tpu.memory_space<hbm>> -> memref<1x16x512xf32, #tpu.memory_space<hbm>>
      %dma_wait3A_47 = tpu.memref_squeeze %dma_wait3A_46 : memref<1x16x512xf32, #tpu.memory_space<hbm>> -> memref<16x512xf32, #tpu.memory_space<hbm>>
      tpu.wait_dma2 semaphore(%run_scoped3A : memref<!tpu.dma_semaphore, #tpu.memory_space<semaphore_mem>>) src(%arg5 : memref<16x512xf32, #tpu.memory_space<vmem>>) dst(%dma_wait3A_47 : memref<16x512xf32, #tpu.memory_space<hbm>>)
      tpu.yield
    }) : () -> ()
    return
  }
}

module attributes {stable_mosaic.version = 14 : i64} {
  func.func @_scores_body(%arg0: i32, %arg1: memref<1024x2048xf32, #tpu.memory_space<vmem>>, %arg2: memref<16x2048xf32, #tpu.memory_space<vmem>>, %arg3: memref<16x1xf32, #tpu.memory_space<vmem>>, %arg4: memref<1x16x1024xf32, #tpu.memory_space<vmem>>) attributes {dimension_semantics = [#tpu.dimension_semantics<arbitrary>], iteration_bounds = array<i64: 16>, scalar_prefetch = 0 : i64, scratch_operands = 0 : i64, tpu.core_type = #tpu.core_type<tc>, window_params = [{transform_indices = @transform_0, window_bounds = array<i64: 1024, 2048>}, {pipeline_mode = #tpu.pipeline_mode<synchronous>, transform_indices = @transform_1, window_bounds = array<i64: 16, 2048>}, {pipeline_mode = #tpu.pipeline_mode<synchronous>, transform_indices = @transform_2, window_bounds = array<i64: 16, 1>}, {transform_indices = @transform_3, window_bounds = array<i64: 1, 16, 1024>}]} {
    %get3A = arith.constant 0 : index
    %get3A_0 = arith.constant 0 : index
    %get3A_1 = vector.load %arg2[%get3A, %get3A_0] : memref<16x2048xf32, #tpu.memory_space<vmem>>, vector<16x2048xf32>
    %get3A_2 = arith.constant 0 : index
    %get3A_3 = arith.constant 0 : index
    %get3A_4 = vector.load %arg1[%get3A_2, %get3A_3] : memref<1024x2048xf32, #tpu.memory_space<vmem>>, vector<1024x2048xf32>
    %dot_general3A = arith.constant dense<0.000000e+00> : vector<16x1024xf32>
    %dot_general3A_5 = tpu.matmul %get3A_1, %get3A_4, %dot_general3A {dimension_numbers = #tpu.dot_dimension_numbers<[1], [1], [0], [0], [0, 0, 1, 0], [], []>, transpose_lhs_hint = false} : vector<16x2048xf32>, vector<1024x2048xf32>, vector<16x1024xf32> -> vector<16x1024xf32>
    %get3A_6 = arith.constant 0 : index
    %get3A_7 = arith.constant 0 : index
    %get3A_8 = vector.load %arg3[%get3A_6, %get3A_7] : memref<16x1xf32, #tpu.memory_space<vmem>>, vector<16x1xf32>
    %add3A = vector.broadcast %get3A_8 : vector<16x1xf32> to vector<16x1024xf32>
    %add3A_9 = arith.addf %dot_general3A_5, %add3A : vector<16x1024xf32>
    %reduce_max3A = arith.constant dense<0xFF800000> : vector<1024xf32>
    %reduce_max3A_10 = vector.multi_reduction <maximumf>, %add3A_9, %reduce_max3A [0] : vector<16x1024xf32> to vector<1024xf32>
    %broadcast_in_dim3A = vector.shape_cast %reduce_max3A_10 : vector<1024xf32> to vector<1x1024xf32>
    %sub3A = vector.broadcast %broadcast_in_dim3A : vector<1x1024xf32> to vector<16x1024xf32>
    %sub3A_11 = arith.subf %add3A_9, %sub3A : vector<16x1024xf32>
    %exp3A = math.exp %sub3A_11 : vector<16x1024xf32>
    %reduce_sum3A = arith.constant dense<0.000000e+00> : vector<1024xf32>
    %reduce_sum3A_12 = vector.multi_reduction <add>, %exp3A, %reduce_sum3A [0] : vector<16x1024xf32> to vector<1024xf32>
    %broadcast_in_dim3A_13 = vector.shape_cast %reduce_sum3A_12 : vector<1024xf32> to vector<1x1024xf32>
    %div3A = vector.broadcast %broadcast_in_dim3A_13 : vector<1x1024xf32> to vector<16x1024xf32>
    %div3A_14 = arith.divf %exp3A, %div3A : vector<16x1024xf32>
    %broadcast_in_dim3A_15 = vector.shape_cast %div3A_14 : vector<16x1024xf32> to vector<1x16x1024xf32>
    %swap3A = arith.constant 0 : index
    %swap3A_16 = arith.constant 0 : index
    %swap3A_17 = arith.constant 0 : index
    %swap3A_18 = vector.load %arg4[%swap3A, %swap3A_16, %swap3A_17] : memref<1x16x1024xf32, #tpu.memory_space<vmem>>, vector<1x16x1024xf32>
    tpu.vector_store %arg4[%swap3A, %swap3A_16, %swap3A_17], %broadcast_in_dim3A_15 {strides = array<i32>} : memref<1x16x1024xf32, #tpu.memory_space<vmem>>, vector<1x16x1024xf32>,
    return
  }
  func.func @transform_0(%arg0: i32) -> (i32, i32) {
    %c0_i32 = arith.constant 0 : i32
    %c0_i32_0 = arith.constant 0 : i32
    return %arg0, %c0_i32 : i32, i32
  }
  func.func @transform_1(%arg0: i32) -> (i32, i32) {
    %c0_i32 = arith.constant 0 : i32
    %c0_i32_0 = arith.constant 0 : i32
    %c0_i32_1 = arith.constant 0 : i32
    return %c0_i32, %c0_i32_0 : i32, i32
  }
  func.func @transform_2(%arg0: i32) -> (i32, i32) {
    %c0_i32 = arith.constant 0 : i32
    %c0_i32_0 = arith.constant 0 : i32
    %c0_i32_1 = arith.constant 0 : i32
    return %c0_i32, %c0_i32_0 : i32, i32
  }
  func.func @transform_3(%arg0: i32) -> (i32, i32, i32) {
    %jit3A = arith.constant 4 : i32
    %div3A = arith.divsi %arg0, %jit3A : i32
    %sign3A = arith.constant 0 : i32
    %sign3A_0 = arith.cmpi sgt, %arg0, %sign3A : i32
    %sign3A_1 = arith.extui %sign3A_0 : i1 to i32
    %sign3A_2 = arith.constant 0 : i32
    %sign3A_3 = arith.cmpi slt, %arg0, %sign3A_2 : i32
    %sign3A_4 = arith.extui %sign3A_3 : i1 to i32
    %sign3A_5 = arith.subi %sign3A_1, %sign3A_4 : i32
    %sign3A_6 = arith.constant 0 : i32
    %sign3A_7 = arith.cmpi sgt, %jit3A, %sign3A_6 : i32
    %sign3A_8 = arith.extui %sign3A_7 : i1 to i32
    %sign3A_9 = arith.constant 0 : i32
    %sign3A_10 = arith.cmpi slt, %jit3A, %sign3A_9 : i32
    %sign3A_11 = arith.extui %sign3A_10 : i1 to i32
    %sign3A_12 = arith.subi %sign3A_8, %sign3A_11 : i32
    %ne3A = arith.cmpi ne, %sign3A_5, %sign3A_12 : i32
    %rem3A = arith.remsi %arg0, %jit3A : i32
    %ne3A_13 = arith.constant 0 : i32
    %ne3A_14 = arith.cmpi ne, %rem3A, %ne3A_13 : i32
    %and3A = arith.andi %ne3A, %ne3A_14 : i1
    %sub3A = arith.constant 1 : i32
    %sub3A_15 = arith.subi %div3A, %sub3A : i32
    %select_n3A = arith.select %and3A, %sub3A_15, %div3A : i32
    %jit3A_16 = arith.constant 4 : i32
    %eq3A = arith.constant 0 : i32
    %eq3A_17 = arith.cmpi eq, %jit3A_16, %eq3A : i32
    %jit3A_18 = arith.constant 1 : i32
    %select_n3A_19 = arith.select %eq3A_17, %jit3A_18, %jit3A_16 : i32
    %rem3A_20 = arith.remsi %arg0, %select_n3A_19 : i32
    %ne3A_21 = arith.constant 0 : i32
    %ne3A_22 = arith.cmpi ne, %rem3A_20, %ne3A_21 : i32
    %lt3A = arith.constant 0 : i32
    %lt3A_23 = arith.cmpi slt, %rem3A_20, %lt3A : i32
    %lt3A_24 = arith.constant 0 : i32
    %lt3A_25 = arith.cmpi slt, %select_n3A_19, %lt3A_24 : i32
    %ne3A_26 = arith.xori %lt3A_23, %lt3A_25 : i1
    %and3A_27 = arith.andi %ne3A_26, %ne3A_22 : i1
    %add3A = arith.addi %rem3A_20, %select_n3A_19 : i32
    %select_n3A_28 = arith.select %and3A_27, %add3A, %rem3A_20 : i32
    %c0_i32 = arith.constant 0 : i32
    %c0_i32_29 = arith.constant 0 : i32
    return %select_n3A, %c0_i32, %select_n3A_28 : i32, i32, i32
  }
}

</mosaic_0001>

<sc_bundles>
// kernel: kernel.4.cloned.1.call-start
scs
__scs_entry_jumppad:
0x0: {  	(pc) =	sbr.rel $0x88, $3  }
0x1: {  	(tag) =	ssettag $0x0;
	lr =	simm.s32 $0x1  }
0x2: {  	[smem:$0x3F9E] =	sst lr;
	_ =	strace $0xD0000000  }
0x3: {  	_ = 	snop  }
0x4: {  	_ = 	snop  }
0x5: {  	_ = 	snop  }
0x6: {  	_ = 	snop  }
0x7: {  	_ = 	snop  }
__scs_overlays_trampoline_lowered:
0x8: {  	[smem:$0x3FAD] =	sst s0  }
0x9: {  	[smem:$0x3FAE] =	sst s1  }
0xa: {  	[smem:$0x3FAF] =	sst s2  }
0xb: {  	[smem:$0x3FB0] =	sst s3  }
0xc: {  	[smem:$0x3FB1] =	sst s4  }
0xd: {  	[smem:$0x3FB2] =	sst s5  }
0xe: {  	[smem:$0x3FB3] =	sst s6  }
0xf: {  	[smem:$0x3FB4] =	sst s7  }
0x10: {  	[smem:$0x3FB5] =	sst s8  }
0x11: {  	[smem:$0x3FB6] =	sst s9;
	s0 =	simm.s32 @!p0 $0x0  }
0x12: {  	s1 =	sld [smem:$0x3F9C];
	s0 =	simm.s32 @p0 $0x1  }
0x13: {  	[smem:$0x3FB7] =	sst s0;
	s0 =	simm.s32 @!p1 $0x0  }
0x14: {  	s2 =	sld [smem:$0x3F9B];
	s0 =	simm.s32 @p1 $0x1  }
0x15: {  	[smem:$0x3FB8] =	sst s0;
	s0 =	simm.s32 @!p2 $0x0  }
0x16: {  	s3 =	sld [smem:$0x3FDB];
	s0 =	simm.s32 @p2 $0x1  }
0x17: {  	s4 =	simm.s32 $0x1BF5;
	[smem:$0x3FBA] =	sst s0  }
0x18: {  	s0 =	sld [smem:$0x3F9D];
	_ =	swait.ge [sflag:s4], $0x0  }
0x19: {  	s7 =	sld [smem:$0x3F9E]  }
0x1a: {  	s8 =	sadd.s32 $0xFFFFE003, lr  }
0x1b: {  	s9 =	sadd.s32 $0xFFFFFEF7, lr;
	s5 =	simm.s32 $0xFFFFFFFF;
	p2 =	slt.u32 s8, $0xFFFFF086  }
0x1c: {  	p1 =	slt.u32 s9, $0xF7A;
	s5 =	simm.s32 @!p2 $0x0  }
0x1d: {  	s5 =	simm.s32 @p1 $0x1;
	p0 =	seq.s32 s7, s2  }
0x1e: {  	s7 =	smul.u32 @!p0 $0xF7A, s2;
	p2 =	seq.s32 @!p0 s5, $0x0  }
0x1f: {  	s9 =	smul.u32 $0xF7A, s1;
	s8 =	simm.s32 @!p0 $0x1BF5;
	p2 =	por !p2, p0  }
0x20: {  	[sflag:s8] =	ssyncset.s32 @!p0 $0xFFFFF086;
	s6 =	sadd.s32 @!p0 s3, s7;
	s7 =	simm.s32 @!p0 $0x108  }
0x21: {  	s3 =	sadd.s32 s3, s9;
	s6 =	sadd.s32 @!p0 $0x88, s6;
	s7 =	simm.s32 @p2 $0x1082  }
0x22: {  	[simem:s7], [sflag:s8] =	dma.local @!p0 [hbm:s6], $0xF7A  }
0x23: {  	s9 =	sor.u32 $0xD0000000, s2;
	s6 =	simm.s32 $0x108;
	_ =	swait.ge @!p0 [sflag:s8], $0x0  }
0x24: {  	s3 =	sadd.s32 $0x88, s3;
	s6 =	simm.s32 @!p1 $0x1082;
	[sflag:s4] =	ssyncset.s32 $0xFFFFF086  }
0x25: {  	[simem:s6], [sflag:s4] =	dma.local [hbm:s3], $0xF7A  }
0x26: {  	[smem:$0x3F9E] =	sst s1;
	(tag) =	ssettag s2;
	_ =	strace s9  }
0x27: {  	s1 =	sld [smem:$0x3FAE]  }
0x28: {  	s2 =	sld [smem:$0x3FAF]  }
0x29: {  	s4 =	sld [smem:$0x3FB1]  }
0x2a: {  	p0 =	seq.s32 s5, $0x0;
	s5 =	sld [smem:$0x3FB2]  }
0x2b: {  	s6 =	sld [smem:$0x3FB3]  }
0x2c: {  	s7 =	sld [smem:$0x3FB4]  }
0x2d: {  	s3 =	simm.s32 $0x108;
	s8 =	sld [smem:$0x3FB5]  }
0x2e: {  	s3 =	simm.s32 @!p0 $0x1082;
	s9 =	sld [smem:$0x3FB6]  }
0x2f: {  	lr =	sadd.s32 s0, s3;
	s0 =	sld [smem:$0x3FAD]  }
0x30: {  	s3 =	sld [smem:$0x3FB0]  }
0x31: {  	[smem:$0x3FB9] =	sst s10  }
0x32: {  	s10 =	sld [smem:$0x3FB7];
	_ =	sdelay $0x3  }
0x33: {  	p0 =	seq.s32 s10, $0x1;
	s10 =	sld [smem:$0x3FB9];
	_ =	sdelay $0x3  }
0x34: {  	[smem:$0x3FB9] =	sst s10  }
0x35: {  	s10 =	sld [smem:$0x3FB8];
	_ =	sdelay $0x3  }
0x36: {  	p1 =	seq.s32 s10, $0x1;
	s10 =	sld [smem:$0x3FB9];
	_ =	sdelay $0x3  }
0x37: {  	[smem:$0x3FB9] =	sst s10  }
0x38: {  	s10 =	sld [smem:$0x3FBA]  }
0x39: {  	_ = 	snop;
	(pc) =	sbr.ind lr, $3  }
0x3a: {  	_ = 	snop  }
0x3b: {  	_ = 	snop  }
0x3c: {  	p2 =	seq.s32 s10, $0x1;
	s10 =	sld [smem:$0x3FB9]  }
0x3d: {  	_ =	shalt  }
0x3e: {  	_ =	shalt  }
0x3f: {  	_ =	shalt  }
0x40: {  	_ =	shalt  }
0x41: {  	_ =	shalt  }
0x42: {  	_ =	shalt  }
0x43: {  	_ =	shalt  }
0x44: {  	_ =	shalt  }
0x45: {  	_ =	shalt  }
0x46: {  	_ =	shalt  }
0x47: {  	_ =	shalt  }
0x48: {  	_ =	shalt  }
0x49: {  	_ =	shalt  }
0x4a: {  	_ =	shalt  }
0x4b: {  	_ =	shalt  }
0x4c: {  	_ =	shalt  }
0x4d: {  	_ =	shalt  }
0x4e: {  	_ =	shalt  }
0x4f: {  	_ =	shalt  }
0x50: {  	_ =	shalt  }
0x51: {  	_ =	shalt  }
0x52: {  	_ =	shalt  }
0x53: {  	_ =	shalt  }
0x54: {  	_ =	shalt  }
0x55: {  	_ =	shalt  }
0x56: {  	_ =	shalt  }
0x57: {  	_ =	shalt  }
0x58: {  	_ =	shalt  }
0x59: {  	_ =	shalt  }
0x5a: {  	_ =	shalt  }
0x5b: {  	_ =	shalt  }
0x5c: {  	_ =	shalt  }
0x5d: {  	_ =	shalt  }
0x5e: {  	_ =	shalt  }
0x5f: {  	_ =	shalt  }
0x60: {  	_ =	shalt  }
0x61: {  	_ =	shalt  }
0x62: {  	_ =	shalt  }
0x63: {  	_ =	shalt  }
0x64: {  	_ =	shalt  }
0x65: {  	_ =	shalt  }
0x66: {  	_ =	shalt  }
0x67: {  	_ =	shalt  }
0x68: {  	_ =	shalt  }
0x69: {  	_ =	shalt  }
0x6a: {  	_ =	shalt  }
0x6b: {  	_ =	shalt  }
0x6c: {  	_ =	shalt  }
0x6d: {  	_ =	shalt  }
0x6e: {  	_ =	shalt  }
0x6f: {  	_ =	shalt  }
0x70: {  	_ =	shalt  }
0x71: {  	_ =	shalt  }
0x72: {  	_ =	shalt  }
0x73: {  	_ =	shalt  }
0x74: {  	_ =	shalt  }
0x75: {  	_ =	shalt  }
0x76: {  	_ =	shalt  }
0x77: {  	_ =	shalt  }
0x78: {  	_ =	shalt  }
0x79: {  	_ =	shalt  }
0x7a: {  	_ =	shalt  }
0x7b: {  	_ =	shalt  }
0x7c: {  	_ =	shalt  }
0x7d: {  	_ =	shalt  }
0x7e: {  	_ =	shalt  }
0x7f: {  	_ =	shalt  }
0x80: {  	_ =	shalt  }
0x81: {  	_ =	shalt  }
0x82: {  	_ =	shalt  }
0x83: {  	_ =	shalt  }
0x84: {  	_ =	shalt  }
0x85: {  	_ =	shalt  }
0x86: {  	_ =	shalt  }
0x87: {  	_ =	shalt  }
.Lfunc_end0:
.L_simem_size_0:
called_computation_lowered:
.L_overlay_start_0:
0x88: {  	s2 =	sld [smem:$0x3FD9]  }
0x89: {  	s3 =	sld [smem:$0x3FFE];
	_ =	sdelay $0x1  }
0x8a: {  	s1 =	srdreg.scid  }
0x8b: {  	s0 =	sand.u32 $0x1, s1  }
0x8c: {  	s17 =	sshll.u32 s0, $0xA;
	s2 =	sadd.s32 s3, s2  }
0x8d: {  	s2 =	sadd.s32 s2, s17  }
0x8e: {  	[smem:$0x3FC5] =	sst s2  }
0x8f: {  	_ = 	snop  }
0x90: {  	s2 =	sld [smem:$0x3FD0];
	(tm) =	ssettm $0x1  }
0x91: {  	s18 =	sld [smem:$0x3FFB];
	_ =	sdelay $0x3  }
0x92: {  	_ =	strace s18  }
0x93: {  	s3 =	sld [smem:$0x3FFC];
	_ =	sdelay $0x3  }
0x94: {  	_ =	strace s3  }
0x95: {  	s3 =	sld [smem:$0x3FFD];
	_ =	sdelay $0x3  }
0x96: {  	_ =	strace s3  }
0x97: {  	_ =	strace $0x8FFFFFFF  }
0x98: {  	s19 =	sld [smem:$0x3FDB];
	_ =	sdelay $0x1  }
0x99: {  	s4 =	simm.s32 $_scs_section_size  }
0x9a: {  	s5 =	simm.s32 $_size__tile_overlayer_lowered;
	s6 =	simm.s32 $_tile_overlayer_lowered  }
0x9b: {  	s22 =	simm.s32 $0x1BFF;
	s21 =	sshll.u32 s6, $0x1;
	s3 =	sadd.s32 s4, s19  }
0x9c: {  	s7 =	simm.s32 $0x0;
	s20 =	sshll.u32 s5, $0x1;
	s5 =	sadd.s32 s21, s3  }
0x9d: {  	[timem:s7], [sflag:s22] =	dma.local [hbm:s5], s20  }
0x9e: {  	_ =	swait.ge [sflag:s22], s20  }
0x9f: {  	s4 =	ssub.s32 $0x0, s20;
	[sflag:s22] =	ssyncset.done $0x0  }
0xa0: {  	[sflag:s22] =	ssyncadd.s32 s4;
	_ =	sdelay $0x1  }
0xa1: {  	s23 =	simm.s32 $0x1B8B  }
0xa2: {  	_ =	swait.ge [sflag:s23], $0x1  }
0xa3: {  	[sflag:s23] =	ssyncset.done $0x0  }
0xa4: {  	s25 =	simm.s32 $0x1B8E;
	s24 =	sld [smem:$0x3FFE];
	[sflag:s23] =	ssyncadd.s32 $0xFFFFFFFF  }
0xa5: {  	s26 =	simm.s32 $execute0_lowered;
	[smem:$0x3FD2] =	sst s25  }
0xa6: {  	s5 =	sshll.u32 s26, $0x1;
	_ =	strace $0x80000046;
	[dreg:$0x1] =	wrdreg $0xFFFFFFFF  }
0xa7: {  	s28 =	simm.s32 $_size_execute0_lowered;
	s3 =	sadd.s32 s3, s5;
	[dreg:$0x0] =	wrdreg $0x0  }
0xa8: {  	s5 =	sshll.u32 s28, $0x1;
	[dreg:$0x2] =	wrdreg s3  }
0xa9: {  	[dreg:$0x3] =	wrdreg s5  }
0xaa: {  	[dreg:$0x4] =	wrdreg $0xC0  }
0xab: {  	_ =	task [dreg:s7], $0x5FFFF  }
0xac: {  	[dreg:$0x1] =	wrdreg $0xFFFFFFFF  }
0xad: {  	[dreg:$0x0] =	wrdreg $0x60  }
0xae: {  	[dreg:$0x2] =	wrdreg s24  }
0xaf: {  	[dreg:$0x3] =	wrdreg s2  }
0xb0: {  	[dreg:$0x4] =	wrdreg $0x9  }
0xb1: {  	_ =	task.clear_ibuf [dreg:s7], $0x5FFFF;
	_ =	strace $0x90000046  }
0xb2: {  	s29 =	simm.s32 $0x9;
	_ =	strace $0x80000048  }
0xb3: {  	_ =	swait.ge [sflag:s29], $0x1  }
0xb4: {  	[sflag:s29] =	ssyncadd.s32 $0xFFFFFFFF  }
0xb5: {  	_ =	strace $0x90000048  }
0xb6: {  	_ =	sfence  }
0xb7: {  	s30 =	sld [smem:$0x0];
	_ =	sdelay $0x2  }
0xb8: {  	s31 =	sshll.u32 s1, $0xD;
	s1 =	sshrl.u32 s1, $0x2  }
0xb9: {  	s3 =	sand.u32 $0x4000, s31;
	s1 =	sadd.s32 s1, s30  }
0xba: {  	s0 =	sor.u32 s3, s0;
	s1 =	sshll.u32 s1, $0x11  }
0xbb: {  	s0 =	sor.u32 s1, s0  }
0xbc: {  	s0 =	sadd.s32 $0x8F2B, s0  }
0xbd: {  	[sflag:s0] =	ssyncadd.remote.s32 $0x1  }
0xbe: {  	_ =	sfence.sel $0xFFFF  }
0xbf: {  	[dreg:$0x0] =	wrdreg $0xFFFFFFFF;
	(pc) =	sbr.abs _section_cstart, $3  }
0xc0: {  	[dreg:$0x1] =	wrdreg $0xFFFFFFFF  }
0xc1: {  	_ =	task.clear_ibuf [dreg:s7], $0x2FFFF;
	_ =	strace $0x9FFFFFFF  }
0xc2: {  	(tm) =	ssettm $0x7FFFFFFF  }
0xc3: {  	_ =	shalt  }
tec
execute0_lowered:
.L_overlay_start_1:
0x0: {  	(tag) =	ssettag $0x1  }
0x1: {  	s0 =	stileid.u32;
	s3 =	rddreg [dreg:$0x0]  }
0x2: {  	s1 =	srdreg.scid;
	s4 =	rddreg [dreg:$0x1]  }
0x3: {  	s8 =	simm.s32 $0x1;
	s9 =	simm.s32 $0x2000;
	s10 =	simm.s32 $0x0  }
0x4: {  	s2 =	sshll.u32 s0, $0x1;
	s5 =	sand.u32 $0x1, s1;
	s7 =	sshll.u32 s0, $0xB  }
0x5: {  	s1 =	rddreg [dreg:$0x2];
	s2 =	sand.u32 $0x6, s2;
	s7 =	sand.u32 $0x6000, s7  }
0x6: {  	s6 =	sor.u32 s5, s2;
	s2 =	simm.s32 $0x0;
	s5 =	ssub.s32 $0x2, s5  }
0x7: {  	s6 =	sshll.u32 s6, $0x9;
	[smem:$0x7FF] =	sst s2;
	s31 =	sshrl.u32 s5, $0x1  }
0x8: {  	s6 =	sor.u32 s7, s6;
	_ =	strace $0x80000047;
	s5 =	ssub.s32 s5, s31  }
0x9: {  	s7 =	simm.s32 $0x8000;
	s3 =	sadd.s32 s6, s3;
	s4 =	sadd.s32 s4, s6  }
0xa: {  	v0 =	vimm.s32 $0x0;
	s5 =	smax.u32 s5, $0x1;
	s6 =	simm.s32 $0x1000;
	s3 =	sadd.s32 $0x800, s3  }
.LBB2_1:
0xb: {  	[tilespmem:s2], [sflag:$0x1] =	stream.strided.gather [hbm4b:s3+s6], $0x2000, s7, s6, $0x38;
	[tilespmem:$0x4000] =	vst v63  }
0xc: {  	_ =	swait.ge [sflag:s8], $0x2000  }
0xd: {  	[sflag:s8] =	ssyncset.done $0x0  }
0xe: {  	s11 =	simm.s32 $0x0;
	s12 =	simm.s32 $0x0;
	[sflag:s8] =	ssyncadd.s32 $0xFFFFE000  }
.LBB2_2:
0xf: {  	s13 =	sand.u32 $0x70, s12;
	s14 =	sand.u32 $0xC00, s11  }
0x10: {  	s13 =	sor.u32 s13, s14  }
0x11: {  	v2 =	vld [tilespmem:s13+$0x80]  }
0x12: {  	v5 =	vld [tilespmem:s13+$0x0];
	_ =	sdelay $0x2  }
0x13: {  	s31 =	sand.u32 $0xFFFFFC00, s11;
	v1 =	vld [tilespmem:s13+$0x100]  }
0x14: {  	s16 =	sadd.s32 s31, s12;
	vm0 =	vlt.f32 v2, $-Inf;
	vm1 =	vgt.f32 v2, $-Inf  }
0x15: {  	s14 =	sor.u32 $0x180, s16;
	vm2 =	vgt.f32 v2, v5;
	vm0 =	vmor vm1, vm0  }
0x16: {  	v3 =	vld [tilespmem:s14+$0x0];
	vm10 =	vmneg vm2;
	v4 =	vnsel vm0, $0xFF800000, v2  }
0x17: {  	v4 =	vsel vm10, v4, v5  }
0x18: {  	v7 =	vsel vm10, v5, v2;
	vm3 =	vgt.f32 v1, v4  }
0x19: {  	v6 =	vld [tilespmem:s13+$0x200];
	vm11 =	vgt.f32 v1, v7;
	v4 =	vsel vm3, v1, v4  }
0x1a: {  	v10 =	vsel vm2, $0x1, v0;
	vm0 =	vmand vm10, vm0;
	v9 =	vsel vm11, v7, v4  }
0x1b: {  	v8 =	vsel vm0, $0x1, v0;
	v7 =	vsel vm11, v1, v7;
	vm12 =	vgt.f32 v3, v9  }
0x1c: {  	v59 =	vld [tilespmem:s13+$0x280];
	v8 =	vsel vm3, $0x2, v8;
	vm13 =	vgt.f32 v3, v7;
	v9 =	vsel vm12, v3, v9  }
0x1d: {  	v8 =	vsel vm11, v10, v8;
	v9 =	vsel vm13, v7, v9  }
0x1e: {  	v10 =	vsel vm11, $0x2, v10;
	v11 =	vsel vm13, v3, v7;
	vm14 =	vgt.f32 v6, v9  }
0x1f: {  	v60 =	vld [tilespmem:s13+$0x300];
	v8 =	vsel vm12, $0x3, v8;
	vm15 =	vgt.f32 v6, v11;
	v9 =	vsel vm14, v6, v9  }
0x20: {  	s17 =	sor.u32 s12, s11;
	v8 =	vsel vm13, v10, v8;
	v12 =	vsel vm15, v11, v9  }
0x21: {  	s15 =	sor.u32 $0x380, s17;
	v10 =	vsel vm13, $0x3, v10;
	v11 =	vsel vm15, v6, v11;
	vm4 =	vgt.f32 v59, v12  }
0x22: {  	v61 =	vld [tilespmem:s15+$0x0];
	v8 =	vsel vm14, $0x4, v8;
	vm5 =	vgt.f32 v59, v11;
	v12 =	vsel vm4, v59, v12  }
0x23: {  	v13 =	vsel vm15, v10, v8;
	v12 =	vsel vm5, v11, v12  }
0x24: {  	v10 =	vsel vm15, $0x4, v10;
	v11 =	vsel vm5, v59, v11;
	vm6 =	vgt.f32 v60, v12  }
0x25: {  	v62 =	vld [tilespmem:s13+$0x1000];
	v13 =	vsel vm4, $0x5, v13;
	vm7 =	vgt.f32 v60, v11;
	v12 =	vsel vm6, v60, v12  }
0x26: {  	v13 =	vsel vm5, v10, v13;
	v12 =	vsel vm7, v11, v12  }
0x27: {  	v10 =	vsel vm5, $0x5, v10;
	v11 =	vsel vm7, v60, v11;
	vm8 =	vgt.f32 v61, v12  }
0x28: {  	v14 =	vld [tilespmem:s13+$0x1080];
	v13 =	vsel vm6, $0x6, v13;
	vm9 =	vgt.f32 v61, v11;
	v12 =	vsel vm8, v61, v12  }
0x29: {  	v13 =	vsel vm7, v10, v13;
	v12 =	vsel vm9, v11, v12  }
0x2a: {  	v10 =	vsel vm7, $0x6, v10;
	v11 =	vsel vm9, v61, v11;
	vm10 =	vgt.f32 v62, v12  }
0x2b: {  	v15 =	vld [tilespmem:s13+$0x1100];
	v13 =	vsel vm8, $0x7, v13;
	vm11 =	vgt.f32 v62, v11;
	v12 =	vsel vm10, v62, v12  }
0x2c: {  	v13 =	vsel vm9, v10, v13;
	v12 =	vsel vm11, v11, v12  }
0x2d: {  	s16 =	sor.u32 $0x1180, s16;
	v10 =	vsel vm9, $0x7, v10;
	v11 =	vsel vm11, v62, v11;
	vm12 =	vgt.f32 v14, v12  }
0x2e: {  	v16 =	vld [tilespmem:s16+$0x0];
	v13 =	vsel vm10, $0x8, v13;
	vm13 =	vgt.f32 v14, v11;
	v12 =	vsel vm12, v14, v12  }
0x2f: {  	v13 =	vsel vm11, v10, v13;
	v12 =	vsel vm13, v11, v12  }
0x30: {  	v10 =	vsel vm11, $0x8, v10;
	v11 =	vsel vm13, v14, v11;
	vm14 =	vgt.f32 v15, v12  }
0x31: {  	v17 =	vld [tilespmem:s13+$0x1200];
	v13 =	vsel vm12, $0x9, v13;
	vm15 =	vgt.f32 v15, v11;
	v12 =	vsel vm14, v15, v12  }
0x32: {  	v13 =	vsel vm13, v10, v13;
	v12 =	vsel vm15, v11, v12  }
0x33: {  	v10 =	vsel vm13, $0x9, v10;
	v11 =	vsel vm15, v15, v11;
	vm4 =	vgt.f32 v16, v12  }
0x34: {  	v18 =	vld [tilespmem:s13+$0x1280];
	v13 =	vsel vm14, $0xA, v13;
	vm5 =	vgt.f32 v16, v11;
	v12 =	vsel vm4, v16, v12  }
0x35: {  	v13 =	vsel vm15, v10, v13;
	v12 =	vsel vm5, v11, v12  }
0x36: {  	v10 =	vsel vm15, $0xA, v10;
	v11 =	vsel vm5, v16, v11;
	vm6 =	vgt.f32 v17, v12  }
0x37: {  	v19 =	vld [tilespmem:s13+$0x1300];
	v13 =	vsel vm4, $0xB, v13;
	vm7 =	vgt.f32 v17, v11;
	v12 =	vsel vm6, v17, v12  }
0x38: {  	v13 =	vsel vm5, v10, v13;
	v12 =	vsel vm7, v11, v12  }
0x39: {  	s17 =	sor.u32 $0x1380, s17;
	v10 =	vsel vm5, $0xB, v10;
	v11 =	vsel vm7, v17, v11;
	vm8 =	vgt.f32 v18, v12  }
0x3a: {  	v20 =	vld [tilespmem:s17+$0x0];
	v13 =	vsel vm6, $0xC, v13;
	vm9 =	vgt.f32 v18, v11;
	v12 =	vsel vm8, v18, v12  }
0x3b: {  	v13 =	vsel vm7, v10, v13;
	v10 =	vsel vm7, $0xC, v10;
	v12 =	vsel vm9, v11, v12  }
0x3c: {  	v13 =	vsel vm8, $0xD, v13;
	v11 =	vsel vm9, v18, v11;
	vm10 =	vgt.f32 v19, v12  }
0x3d: {  	v13 =	vsel vm9, v10, v13;
	vm11 =	vgt.f32 v19, v11;
	v12 =	vsel vm10, v19, v12  }
0x3e: {  	v10 =	vsel vm9, $0xD, v10;
	v13 =	vsel vm10, $0xE, v13;
	v12 =	vsel vm11, v11, v12  }
0x3f: {  	v13 =	vsel vm11, v10, v13;
	v11 =	vsel vm11, v19, v11;
	vm12 =	vgt.f32 v20, v12  }
0x40: {  	v10 =	vsel vm11, $0xE, v10;
	vm13 =	vgt.f32 v20, v11;
	v63 =	vsel vm12, $0xF, v13  }
0x41: {  	v11 =	vsel vm13, v10, v63;
	v10 =	vsel vm13, $0xF, v10  }
0x42: {  	vm14 =	veq.s32 v10, $0x0  }
0x43: {  	vm15 =	veq.s32 v11, $0x0;
	vm4 =	veq.s32 v10, $0x1;
	vm5 =	veq.s32 v11, $0x1  }
0x44: {  	vm7 =	veq.s32 v10, $0x2;
	vm8 =	veq.s32 v11, $0x2;
	vm9 =	veq.s32 v10, $0x3  }
0x45: {  	vm10 =	veq.s32 v11, $0x3;
	vm11 =	veq.s32 v10, $0x4;
	vm12 =	veq.s32 v11, $0x4  }
0x46: {  	vm0 =	vmor vm14, vm15;
	vm6 =	vmor vm4, vm5;
	vm1 =	vmor vm9, vm10  }
0x47: {  	vm13 =	vmor vm11, vm12;
	vm14 =	veq.s32 v10, $0x5;
	vm15 =	veq.s32 v11, $0x5  }
0x48: {  	vm4 =	veq.s32 v10, $0x6;
	vm5 =	veq.s32 v11, $0x6;
	vm9 =	veq.s32 v10, $0x8  }
0x49: {  	vm10 =	veq.s32 v11, $0x8;
	vm11 =	veq.s32 v10, $0x9;
	v5 =	vnsel vm0, $0x0, v5  }
0x4a: {  	vm12 =	veq.s32 v11, $0x9;
	v2 =	vnsel vm6, $0x0, v2;
	vm0 =	vmor vm7, vm8;
	[tilespmem:s13+$0x2000] =	vst v5  }
0x4b: {  	v3 =	vnsel vm1, $0x0, v3;
	v6 =	vnsel vm13, $0x0, v6;
	v1 =	vnsel vm0, $0x0, v1;
	[tilespmem:s13+$0x2080] =	vst v2  }
0x4c: {  	vm1 =	vmor vm4, vm5;
	vm6 =	veq.s32 v10, $0x7;
	vm7 =	veq.s32 v11, $0x7;
	[tilespmem:s13+$0x2100] =	vst v1  }
0x4d: {  	vm13 =	veq.s32 v10, $0xA;
	vm4 =	veq.s32 v10, $0xB;
	vm0 =	vmor vm14, vm15;
	[tilespmem:s14+$0x2000] =	vst v3  }
0x4e: {  	vm5 =	veq.s32 v11, $0xB;
	v2 =	vnsel vm1, $0x0, v60;
	v1 =	vnsel vm0, $0x0, v59;
	[tilespmem:s13+$0x2200] =	vst v6  }
0x4f: {  	vm8 =	vmor vm6, vm7;
	vm1 =	vmor vm11, vm12;
	vm14 =	veq.s32 v11, $0xA;
	[tilespmem:s13+$0x2280] =	vst v1  }
0x50: {  	vm6 =	veq.s32 v10, $0xC;
	vm0 =	vmor vm9, vm10;
	v3 =	vnsel vm8, $0x0, v61;
	[tilespmem:s13+$0x2300] =	vst v2  }
0x51: {  	vm7 =	veq.s32 v11, $0xC;
	vm11 =	veq.s32 v10, $0xE;
	v1 =	vnsel vm0, $0x0, v62;
	[tilespmem:s15+$0x2000] =	vst v3  }
0x52: {  	vm12 =	veq.s32 v11, $0xE;
	vm15 =	vmor vm13, vm14;
	v2 =	vnsel vm1, $0x0, v14;
	[tilespmem:s13+$0x3000] =	vst v1  }
0x53: {  	vm9 =	veq.s32 v11, $0xD;
	vm0 =	vmor vm4, vm5;
	v3 =	vnsel vm15, $0x0, v15;
	[tilespmem:s13+$0x3080] =	vst v2  }
0x54: {  	p0 =	sne.s32 s12, $0x1F0;
	vm8 =	veq.s32 v10, $0xD;
	vm1 =	vmor vm6, vm7;
	[tilespmem:s13+$0x3100] =	vst v3;
	v1 =	vnsel vm0, $0x0, v16  }
.Ltmp0:
0x55: {  	vm13 =	veq.s32 v10, $0xF;
	vm10 =	vmor vm8, vm9;
	v2 =	vnsel vm1, $0x0, v17;
	[tilespmem:s16+$0x2000] =	vst v1;
	(pc) =	sbr.rel @p0 .LBB2_2-.Ltmp0, $4  }
0x56: {  	vm14 =	veq.s32 v11, $0xF;
	vm0 =	vmor vm11, vm12;
	v1 =	vnsel vm10, $0x0, v18;
	[tilespmem:s13+$0x3200] =	vst v2  }
0x57: {  	vm15 =	vmor vm13, vm14;
	[tilespmem:s13+$0x3280] =	vst v1;
	v1 =	vnsel vm0, $0x0, v19  }
0x58: {  	[tilespmem:s13+$0x3300] =	vst v1;
	v1 =	vnsel vm15, $0x0, v20  }
0x59: {  	s11 =	sadd.s32 $0x80, s11;
	s12 =	sadd.s32 $0x10, s12;
	[tilespmem:s17+$0x2000] =	vst v1  }
0x5a: {  	s10 =	sadd.s32 $0x1, s10  }
0x5b: {  	p0 =	sne.s32 s10, s5  }
.Ltmp1:
0x5c: {  	_ = 	snop;
	(pc) =	sbr.rel @p0 .LBB2_1-.Ltmp1, $4  }
0x5d: {  	[hbm4b:s4+s6] =	stream.strided.scatter [tilespmem:s9], [sflag:$0x1], $0x2000, s7, s6, $0x38;
	[tilespmem:$0x4000] =	vst v63  }
0x5e: {  	_ =	swait.ge [sflag:s8], $0x2000  }
0x5f: {  	[sflag:s8] =	ssyncset.done $0x0  }
0x60: {  	[sflag:s8] =	ssyncadd.s32 $0xFFFFE000  }
0x61: {  	_ =	sfence.sel $0x180000  }
0x62: {  	[bflag:$0x0] =	sbarrier.arrive $0xFFFF  }
0x63: {  	p0 =	sne.s32 s0, $0x0;
	_ =	strace $0x90000047  }
0x64: {  	s0 =	sadd.s32 @!p0 $0x100000, s1;
	[bflag:$0x2] =	sbarrier.arrive $0xFFFF  }
0x65: {  	[sflag:s0] =	ssyncadd.tile.s32 @!p0 $0x1;
	_ =	shalt  }
.Lfunc_end2:
_tile_overlayer_lowered:
.L_overlay_start_2:
0x66: {  	(tag) =	ssettag $0x2  }
0x67: {  	s0 =	rddreg [dreg:$0x0];
	s2 =	stileid.u32  }
0x68: {  	s1 =	rddreg [dreg:$0x1];
	p0 =	sne.s32 s2, $0x0  }
0x69: {  	s3 =	rddreg [dreg:$0x2];
	[bflag:$0x3] =	sbarrier.arrive $0xFFFF;
	s2 =	simm.s32 @!p0 $0x1C01  }
0x6a: {  	[timem:s3], [sflag:s2] =	dma.local @!p0 [hbm:s0], s1  }
0x6b: {  	s0 =	simm.s32 @!p0 $0x1  }
0x6c: {  	_ =	swait.ge @!p0 [sflag:s0], s1  }
0x6d: {  	s1 =	ssub.s32 @!p0 $0x0, s1;
	[sflag:s0] =	ssyncset.done @!p0 $0x0  }
0x6e: {  	[sflag:s0] =	ssyncadd.s32 @!p0 s1  }
0x6f: {  	[bflag:$0x3] =	sbarrier.arrive $0xFFFF  }
0x70: {  	_ =	shalt  }

</sc_bundles>
